<compile_context>
chip_gen: v7x
topology: tpu7x:2x2x1
jax: 0.10.2.dev20260603
libtpu: 0.0.44.dev20260713+nightly
codegen_flags: <defaults>
</compile_context>

<pallas_src>
import functools

import jax
import jax.numpy as jnp
from jax import lax
from jax.experimental import pallas as pl
from jax.experimental.pallas import tpu as pltpu
from jax.experimental.pallas import tpu_sc as plsc

_NC = 2
_NS = 16
_NW = _NC * _NS


def _gather_call(b, t, hidden, n_chunks, chunk):
    per_w = n_chunks * chunk
    w_per_row = t // per_w

    mesh = plsc.VectorSubcoreMesh(core_axis_name="c", subcore_axis_name="s")

    @functools.partial(
        pl.kernel,
        mesh=mesh,
        out_type=jax.ShapeDtypeStruct((b, t, hidden), jnp.float32),
        scratch_types=[
            pltpu.VMEM((per_w,), jnp.int32),
            pltpu.VMEM((chunk, hidden), jnp.float32),
            pltpu.VMEM((chunk, hidden), jnp.float32),
            pltpu.VMEM((chunk, hidden), jnp.float32),
            pltpu.SemaphoreType.DMA,
            pltpu.SemaphoreType.DMA,
            pltpu.SemaphoreType.DMA,
            pltpu.SemaphoreType.DMA,
            pltpu.SemaphoreType.DMA,
            pltpu.SemaphoreType.DMA,
        ],
    )
    def body(idx_hbm, table_hbm, out_hbm, idx_v, buf0, buf1, buf2,
             gsem0, gsem1, gsem2, wsem0, wsem1, wsem2):
        wid = lax.axis_index("s") * _NC + lax.axis_index("c")
        row = wid // w_per_row
        col0 = (wid % w_per_row) * per_w
        pltpu.sync_copy(idx_hbm.at[row, pl.ds(col0, per_w)], idx_v)
        bufs = (buf0, buf1, buf2)
        gsems = (gsem0, gsem1, gsem2)
        wsems = (wsem0, wsem1, wsem2)
        g = [None] * n_chunks
        w = [None] * n_chunks
        for j in range(min(3, n_chunks)):
            g[j] = pltpu.async_copy(
                table_hbm.at[idx_v.at[pl.ds(j * chunk, chunk)]], bufs[j],
                gsems[j])
        for j in range(n_chunks):
            if j >= 2 and (j + 1) < n_chunks:
                w[j - 2].wait()
                g[j + 1] = pltpu.async_copy(
                    table_hbm.at[idx_v.at[pl.ds((j + 1) * chunk, chunk)]],
                    bufs[(j + 1) % 3], gsems[(j + 1) % 3])
            g[j].wait()
            w[j] = pltpu.async_copy(
                bufs[j % 3],
                out_hbm.at[row, pl.ds(col0 + j * chunk, chunk)],
                wsems[j % 3])
        for j in range(max(0, n_chunks - 3), n_chunks):
            w[j].wait()

    return body


def _mask_body(t, br, b, pc, am_ref, attn_ref, pos_ref):
    i = pl.program_id(0)
    j = pl.program_id(1)
    r0 = j * br
    rows = r0 + lax.broadcasted_iota(jnp.int32, (br, t), 0)
    cols = lax.broadcasted_iota(jnp.int32, (br, t), 1)
    pad = (am_ref[pl.ds(i, 1), :] == 0)
    bad = (cols > rows) | pad
    attn_ref[0, 0] = jnp.where(bad, jnp.float32(-jnp.inf), jnp.float32(0.0))
    nj = t // br
    c0 = (i * nj + j) * pc
    pos_ref[...] = c0 + lax.broadcasted_iota(jnp.int32, (3, b, pc), 2)


def kernel(input_ids, attention_mask, embed_table):
    b, t = input_ids.shape
    vocab, hidden = embed_table.shape
    n_tok = b * t

    chunk = 32
    per_w = n_tok // _NW
    n_chunks = per_w // chunk
    hidden_out = _gather_call(b, t, hidden, n_chunks, chunk)(
        input_ids, embed_table)

    br = 1024
    nj = t // br
    pc = t // (b * nj)
    grid = (b, nj)
    attn, pos = pl.pallas_call(
        functools.partial(_mask_body, t, br, b, pc),
        grid=grid,
        in_specs=[pl.BlockSpec((b, t), lambda i, j: (0, 0))],
        out_specs=[
            pl.BlockSpec((1, 1, br, t), lambda i, j: (i, 0, j, 0)),
            pl.BlockSpec((3, b, pc), lambda i, j: (0, 0, i * (t // br) + j)),
        ],
        out_shape=[
            jax.ShapeDtypeStruct((b, 1, t, t), jnp.float32),
            jax.ShapeDtypeStruct((3, b, t), jnp.int32),
        ],
    )(attention_mask)

    return hidden_out, attn, pos

# --- scband reference (transcript-rebuilt; emitter-appended) ---
"""Pipeline reference for scband-text-stage-31353261261162 (READ-ONLY COPY).

The authoritative reference and input builder live on the scoring server;
editing this copy changes nothing except your own understanding.
"""

import jax, jax.numpy as jnp
import numpy as np

VOCAB = 100000
HIDDEN = 1024
B, T = 4, 2048

def setup_inputs(seed: int = 0) -> dict:
    key = jax.random.key(seed)
    k1, k2 = jax.random.split(key)
    input_ids = jax.random.randint(k1, (B, T), 0, VOCAB, dtype=jnp.int32)
    attention_mask = jnp.ones((B, T), dtype=jnp.int32)
    embed_table = jax.random.normal(k2, (VOCAB, HIDDEN), dtype=jnp.float32) * 0.02
    return {"input_ids": input_ids, "attention_mask": attention_mask, "embed_table": embed_table}

def build_causal(mask_len):
    m = jnp.triu(jnp.full((mask_len, mask_len), -jnp.inf, dtype=jnp.float32), k=1)
    return m[None, None, :, :]

def reference(input_ids, attention_mask, embed_table):
    b, t = input_ids.shape
    # embedding lookup: gather rows from the table
    hidden = jnp.take(embed_table, input_ids, axis=0)  # [B, T, H]
    attn_4d = jnp.broadcast_to(build_causal(t), (b, 1, t, t))
    pad = (attention_mask == 0)[:, None, None, :]  # [B,1,1,T]
    attn_4d = jnp.where(pad, -jnp.inf, attn_4d)
    base_pos = jnp.tile(jnp.arange(t, dtype=jnp.int32)[None, :], (b, 1))
    position_ids = jnp.stack([base_pos, base_pos, base_pos], axis=0)
    return hidden, attn_4d, position_ids

if __name__ == "__main__":
    import jax
    _d = setup_inputs()
    print(jax.jit(kernel)(*tuple(_d.values())))

</pallas_src>

<mosaic_0001>
#map = affine_map<(d0, d1) -> (0, 0)>
#map1 = affine_map<(d0, d1) -> (0, 0, 0)>
module attributes {stable_mosaic.version = 14 : i64} {
  func.func @body(%arg0: i32, %arg1: i32, %arg2: memref<4x2048xi32, #tpu.memory_space<hbm>>, %arg3: memref<100000x1024xf32, #tpu.memory_space<hbm>>, %arg4: memref<4x2048x1024xf32, #tpu.memory_space<hbm>>, %arg5: memref<256xi32, #tpu.memory_space<vmem>>, %arg6: memref<32x1024xf32, #tpu.memory_space<vmem>>, %arg7: memref<32x1024xf32, #tpu.memory_space<vmem>>, %arg8: memref<32x1024xf32, #tpu.memory_space<vmem>>, %arg9: memref<!tpu.dma_semaphore, #tpu.memory_space<semaphore_mem>>, %arg10: memref<!tpu.dma_semaphore, #tpu.memory_space<semaphore_mem>>, %arg11: memref<!tpu.dma_semaphore, #tpu.memory_space<semaphore_mem>>, %arg12: memref<!tpu.dma_semaphore, #tpu.memory_space<semaphore_mem>>, %arg13: memref<!tpu.dma_semaphore, #tpu.memory_space<semaphore_mem>>, %arg14: memref<!tpu.dma_semaphore, #tpu.memory_space<semaphore_mem>>) attributes {dimension_semantics = [#tpu.dimension_semantics<core_parallel>, #tpu.dimension_semantics<subcore_parallel>], iteration_bounds = array<i64: 2, 16>, scalar_prefetch = 0 : i64, scratch_operands = 10 : i64, tpu.core_type = #tpu.core_type<sc_vector_subcore>, window_params = [{transform_indices = #map}, {transform_indices = #map}, {transform_indices = #map1}]} {
    %mul3A = arith.constant 2 : i32
    %mul3A_0 = arith.muli %arg1, %mul3A : i32
    %add3A = arith.addi %mul3A_0, %arg0 : i32
    %jit3A = arith.constant 8 : i32
    %div3A = arith.divsi %add3A, %jit3A : i32
    %sign3A = arith.constant 0 : i32
    %sign3A_1 = arith.cmpi sgt, %add3A, %sign3A : i32
    %sign3A_2 = arith.extui %sign3A_1 : i1 to i32
    %sign3A_3 = arith.constant 0 : i32
    %sign3A_4 = arith.cmpi slt, %add3A, %sign3A_3 : i32
    %sign3A_5 = arith.extui %sign3A_4 : i1 to i32
    %sign3A_6 = arith.subi %sign3A_2, %sign3A_5 : i32
    %sign3A_7 = arith.constant 0 : i32
    %sign3A_8 = arith.cmpi sgt, %jit3A, %sign3A_7 : i32
    %sign3A_9 = arith.extui %sign3A_8 : i1 to i32
    %sign3A_10 = arith.constant 0 : i32
    %sign3A_11 = arith.cmpi slt, %jit3A, %sign3A_10 : i32
    %sign3A_12 = arith.extui %sign3A_11 : i1 to i32
    %sign3A_13 = arith.subi %sign3A_9, %sign3A_12 : i32
    %ne3A = arith.cmpi ne, %sign3A_6, %sign3A_13 : i32
    %rem3A = arith.remsi %add3A, %jit3A : i32
    %ne3A_14 = arith.constant 0 : i32
    %ne3A_15 = arith.cmpi ne, %rem3A, %ne3A_14 : i32
    %and3A = arith.andi %ne3A, %ne3A_15 : i1
    %sub3A = arith.constant 1 : i32
    %sub3A_16 = arith.subi %div3A, %sub3A : i32
    %select_n3A = arith.select %and3A, %sub3A_16, %div3A : i32
    %jit3A_17 = arith.constant 8 : i32
    %eq3A = arith.constant 0 : i32
    %eq3A_18 = arith.cmpi eq, %jit3A_17, %eq3A : i32
    %jit3A_19 = arith.constant 1 : i32
    %select_n3A_20 = arith.select %eq3A_18, %jit3A_19, %jit3A_17 : i32
    %rem3A_21 = arith.remsi %add3A, %select_n3A_20 : i32
    %ne3A_22 = arith.constant 0 : i32
    %ne3A_23 = arith.cmpi ne, %rem3A_21, %ne3A_22 : i32
    %lt3A = arith.constant 0 : i32
    %lt3A_24 = arith.cmpi slt, %rem3A_21, %lt3A : i32
    %lt3A_25 = arith.constant 0 : i32
    %lt3A_26 = arith.cmpi slt, %select_n3A_20, %lt3A_25 : i32
    %ne3A_27 = arith.xori %lt3A_24, %lt3A_26 : i1
    %and3A_28 = arith.andi %ne3A_27, %ne3A_23 : i1
    %add3A_29 = arith.addi %rem3A_21, %select_n3A_20 : i32
    %select_n3A_30 = arith.select %and3A_28, %add3A_29, %rem3A_21 : i32
    %mul3A_31 = arith.constant 256 : i32
    %mul3A_32 = arith.muli %select_n3A_30, %mul3A_31 : i32
    "tpu.region"() ({
      %run_scoped3A = tpu.sem_alloc : memref<!tpu.dma_semaphore, #tpu.memory_space<semaphore_mem>>
      %dma_start3A_223 = tpu.memref_slice %arg2[%select_n3A, %mul3A_32] : memref<4x2048xi32, #tpu.memory_space<hbm>> -> memref<1x256xi32, #tpu.memory_space<hbm>>
      %dma_start3A_224 = tpu.memref_squeeze %dma_start3A_223 : memref<1x256xi32, #tpu.memory_space<hbm>> -> memref<256xi32, #tpu.memory_space<hbm>>
      %dma_start3A_225 = tpu.memref_slice %arg2[%select_n3A, %mul3A_32] : memref<4x2048xi32, #tpu.memory_space<hbm>> -> memref<1x256xi32, #tpu.memory_space<hbm>>
      %dma_start3A_226 = tpu.memref_squeeze %dma_start3A_225 : memref<1x256xi32, #tpu.memory_space<hbm>> -> memref<256xi32, #tpu.memory_space<hbm>>
      tpu.enqueue_dma source(%dma_start3A_226 : memref<256xi32, #tpu.memory_space<hbm>>) target(%arg5 : memref<256xi32, #tpu.memory_space<vmem>>) target_semaphore(%run_scoped3A : memref<!tpu.dma_semaphore, #tpu.memory_space<semaphore_mem>>)
      %dma_wait3A_227 = tpu.memref_slice %arg2[%select_n3A, %mul3A_32] : memref<4x2048xi32, #tpu.memory_space<hbm>> -> memref<1x256xi32, #tpu.memory_space<hbm>>
      %dma_wait3A_228 = tpu.memref_squeeze %dma_wait3A_227 : memref<1x256xi32, #tpu.memory_space<hbm>> -> memref<256xi32, #tpu.memory_space<hbm>>
      %dma_wait3A_229 = tpu.memref_slice %arg2[%select_n3A, %mul3A_32] : memref<4x2048xi32, #tpu.memory_space<hbm>> -> memref<1x256xi32, #tpu.memory_space<hbm>>
      %dma_wait3A_230 = tpu.memref_squeeze %dma_wait3A_229 : memref<1x256xi32, #tpu.memory_space<hbm>> -> memref<256xi32, #tpu.memory_space<hbm>>
      tpu.wait_dma2 semaphore(%run_scoped3A : memref<!tpu.dma_semaphore, #tpu.memory_space<semaphore_mem>>) src(%dma_wait3A_230 : memref<256xi32, #tpu.memory_space<hbm>>) dst(%arg5 : memref<256xi32, #tpu.memory_space<vmem>>)
      tpu.yield
    }) : () -> ()
    %dma_start3A = arith.constant 0 : i32
    %dma_start3A_33 = tpu.memref_slice %arg5[%dma_start3A] : memref<256xi32, #tpu.memory_space<vmem>> -> memref<32xi32, #tpu.memory_space<vmem>>
    %dma_start3A_34 = arith.constant 0 : i32
    %dma_start3A_35 = arith.constant 0 : i32
    %dma_start3A_36 = tpu.memref_slice %arg3[%dma_start3A_34, %dma_start3A_35] : memref<100000x1024xf32, #tpu.memory_space<hbm>> -> memref<100000x1024xf32, #tpu.memory_space<hbm>>
    tpu.enqueue_indirect_dma source(%dma_start3A_36 : memref<100000x1024xf32, #tpu.memory_space<hbm>>) target(%arg6 : memref<32x1024xf32, #tpu.memory_space<vmem>>) offsets(%dma_start3A_33 : memref<32xi32, #tpu.memory_space<vmem>>) semaphore(%arg9 : memref<!tpu.dma_semaphore, #tpu.memory_space<semaphore_mem>>)
    %dma_start3A_37 = arith.constant 32 : i32
    %dma_start3A_38 = tpu.memref_slice %arg5[%dma_start3A_37] : memref<256xi32, #tpu.memory_space<vmem>> -> memref<32xi32, #tpu.memory_space<vmem>>
    %dma_start3A_39 = arith.constant 0 : i32
    %dma_start3A_40 = arith.constant 0 : i32
    %dma_start3A_41 = tpu.memref_slice %arg3[%dma_start3A_39, %dma_start3A_40] : memref<100000x1024xf32, #tpu.memory_space<hbm>> -> memref<100000x1024xf32, #tpu.memory_space<hbm>>
    tpu.enqueue_indirect_dma source(%dma_start3A_41 : memref<100000x1024xf32, #tpu.memory_space<hbm>>) target(%arg7 : memref<32x1024xf32, #tpu.memory_space<vmem>>) offsets(%dma_start3A_38 : memref<32xi32, #tpu.memory_space<vmem>>) semaphore(%arg10 : memref<!tpu.dma_semaphore, #tpu.memory_space<semaphore_mem>>)
    %dma_start3A_42 = arith.constant 64 : i32
    %dma_start3A_43 = tpu.memref_slice %arg5[%dma_start3A_42] : memref<256xi32, #tpu.memory_space<vmem>> -> memref<32xi32, #tpu.memory_space<vmem>>
    %dma_start3A_44 = arith.constant 0 : i32
    %dma_start3A_45 = arith.constant 0 : i32
    %dma_start3A_46 = tpu.memref_slice %arg3[%dma_start3A_44, %dma_start3A_45] : memref<100000x1024xf32, #tpu.memory_space<hbm>> -> memref<100000x1024xf32, #tpu.memory_space<hbm>>
    tpu.enqueue_indirect_dma source(%dma_start3A_46 : memref<100000x1024xf32, #tpu.memory_space<hbm>>) target(%arg8 : memref<32x1024xf32, #tpu.memory_space<vmem>>) offsets(%dma_start3A_43 : memref<32xi32, #tpu.memory_space<vmem>>) semaphore(%arg11 : memref<!tpu.dma_semaphore, #tpu.memory_space<semaphore_mem>>)
    %dma_wait3A = arith.constant 0 : i32
    %dma_wait3A_47 = tpu.memref_slice %arg5[%dma_wait3A] : memref<256xi32, #tpu.memory_space<vmem>> -> memref<32xi32, #tpu.memory_space<vmem>>
    %dma_wait3A_48 = arith.constant 0 : i32
    %dma_wait3A_49 = arith.constant 0 : i32
    %dma_wait3A_50 = tpu.memref_slice %arg3[%dma_wait3A_48, %dma_wait3A_49] : memref<100000x1024xf32, #tpu.memory_space<hbm>> -> memref<100000x1024xf32, #tpu.memory_space<hbm>>
    tpu.wait_indirect_dma semaphore(%arg9 : memref<!tpu.dma_semaphore, #tpu.memory_space<semaphore_mem>>) src(%dma_wait3A_50 : memref<100000x1024xf32, #tpu.memory_space<hbm>>) dst(%arg6 : memref<32x1024xf32, #tpu.memory_space<vmem>>)
    %add3A_51 = arith.constant 0 : i32
    %add3A_52 = arith.addi %mul3A_32, %add3A_51 : i32
    %dma_start3A_53 = arith.constant 0 : i32
    %dma_start3A_54 = tpu.memref_slice %arg4[%select_n3A, %add3A_52, %dma_start3A_53] : memref<4x2048x1024xf32, #tpu.memory_space<hbm>> -> memref<1x32x1024xf32, #tpu.memory_space<hbm>>
    %dma_start3A_55 = tpu.memref_squeeze %dma_start3A_54 : memref<1x32x1024xf32, #tpu.memory_space<hbm>> -> memref<32x1024xf32, #tpu.memory_space<hbm>>
    %dma_start3A_56 = arith.constant 0 : i32
    %dma_start3A_57 = tpu.memref_slice %arg4[%select_n3A, %add3A_52, %dma_start3A_56] : memref<4x2048x1024xf32, #tpu.memory_space<hbm>> -> memref<1x32x1024xf32, #tpu.memory_space<hbm>>
    %dma_start3A_58 = tpu.memref_squeeze %dma_start3A_57 : memref<1x32x1024xf32, #tpu.memory_space<hbm>> -> memref<32x1024xf32, #tpu.memory_space<hbm>>
    tpu.enqueue_dma source(%arg6 : memref<32x1024xf32, #tpu.memory_space<vmem>>) target(%dma_start3A_58 : memref<32x1024xf32, #tpu.memory_space<hbm>>) target_semaphore(%arg12 : memref<!tpu.dma_semaphore, #tpu.memory_space<semaphore_mem>>)
    %dma_wait3A_59 = arith.constant 32 : i32
    %dma_wait3A_60 = tpu.memref_slice %arg5[%dma_wait3A_59] : memref<256xi32, #tpu.memory_space<vmem>> -> memref<32xi32, #tpu.memory_space<vmem>>
    %dma_wait3A_61 = arith.constant 0 : i32
    %dma_wait3A_62 = arith.constant 0 : i32
    %dma_wait3A_63 = tpu.memref_slice %arg3[%dma_wait3A_61, %dma_wait3A_62] : memref<100000x1024xf32, #tpu.memory_space<hbm>> -> memref<100000x1024xf32, #tpu.memory_space<hbm>>
    tpu.wait_indirect_dma semaphore(%arg10 : memref<!tpu.dma_semaphore, #tpu.memory_space<semaphore_mem>>) src(%dma_wait3A_63 : memref<100000x1024xf32, #tpu.memory_space<hbm>>) dst(%arg7 : memref<32x1024xf32, #tpu.memory_space<vmem>>)
    %add3A_64 = arith.constant 32 : i32
    %add3A_65 = arith.addi %mul3A_32, %add3A_64 : i32
    %dma_start3A_66 = arith.constant 0 : i32
    %dma_start3A_67 = tpu.memref_slice %arg4[%select_n3A, %add3A_65, %dma_start3A_66] : memref<4x2048x1024xf32, #tpu.memory_space<hbm>> -> memref<1x32x1024xf32, #tpu.memory_space<hbm>>
    %dma_start3A_68 = tpu.memref_squeeze %dma_start3A_67 : memref<1x32x1024xf32, #tpu.memory_space<hbm>> -> memref<32x1024xf32, #tpu.memory_space<hbm>>
    %dma_start3A_69 = arith.constant 0 : i32
    %dma_start3A_70 = tpu.memref_slice %arg4[%select_n3A, %add3A_65, %dma_start3A_69] : memref<4x2048x1024xf32, #tpu.memory_space<hbm>> -> memref<1x32x1024xf32, #tpu.memory_space<hbm>>
    %dma_start3A_71 = tpu.memref_squeeze %dma_start3A_70 : memref<1x32x1024xf32, #tpu.memory_space<hbm>> -> memref<32x1024xf32, #tpu.memory_space<hbm>>
    tpu.enqueue_dma source(%arg7 : memref<32x1024xf32, #tpu.memory_space<vmem>>) target(%dma_start3A_71 : memref<32x1024xf32, #tpu.memory_space<hbm>>) target_semaphore(%arg13 : memref<!tpu.dma_semaphore, #tpu.memory_space<semaphore_mem>>)
    %dma_wait3A_72 = arith.constant 0 : i32
    %dma_wait3A_73 = tpu.memref_slice %arg4[%select_n3A, %add3A_52, %dma_wait3A_72] : memref<4x2048x1024xf32, #tpu.memory_space<hbm>> -> memref<1x32x1024xf32, #tpu.memory_space<hbm>>
    %dma_wait3A_74 = tpu.memref_squeeze %dma_wait3A_73 : memref<1x32x1024xf32, #tpu.memory_space<hbm>> -> memref<32x1024xf32, #tpu.memory_space<hbm>>
    %dma_wait3A_75 = arith.constant 0 : i32
    %dma_wait3A_76 = tpu.memref_slice %arg4[%select_n3A, %add3A_52, %dma_wait3A_75] : memref<4x2048x1024xf32, #tpu.memory_space<hbm>> -> memref<1x32x1024xf32, #tpu.memory_space<hbm>>
    %dma_wait3A_77 = tpu.memref_squeeze %dma_wait3A_76 : memref<1x32x1024xf32, #tpu.memory_space<hbm>> -> memref<32x1024xf32, #tpu.memory_space<hbm>>
    tpu.wait_dma2 semaphore(%arg12 : memref<!tpu.dma_semaphore, #tpu.memory_space<semaphore_mem>>) src(%arg6 : memref<32x1024xf32, #tpu.memory_space<vmem>>) dst(%dma_wait3A_77 : memref<32x1024xf32, #tpu.memory_space<hbm>>)
    %dma_start3A_78 = arith.constant 96 : i32
    %dma_start3A_79 = tpu.memref_slice %arg5[%dma_start3A_78] : memref<256xi32, #tpu.memory_space<vmem>> -> memref<32xi32, #tpu.memory_space<vmem>>
    %dma_start3A_80 = arith.constant 0 : i32
    %dma_start3A_81 = arith.constant 0 : i32
    %dma_start3A_82 = tpu.memref_slice %arg3[%dma_start3A_80, %dma_start3A_81] : memref<100000x1024xf32, #tpu.memory_space<hbm>> -> memref<100000x1024xf32, #tpu.memory_space<hbm>>
    tpu.enqueue_indirect_dma source(%dma_start3A_82 : memref<100000x1024xf32, #tpu.memory_space<hbm>>) target(%arg6 : memref<32x1024xf32, #tpu.memory_space<vmem>>) offsets(%dma_start3A_79 : memref<32xi32, #tpu.memory_space<vmem>>) semaphore(%arg9 : memref<!tpu.dma_semaphore, #tpu.memory_space<semaphore_mem>>)
    %dma_wait3A_83 = arith.constant 64 : i32
    %dma_wait3A_84 = tpu.memref_slice %arg5[%dma_wait3A_83] : memref<256xi32, #tpu.memory_space<vmem>> -> memref<32xi32, #tpu.memory_space<vmem>>
    %dma_wait3A_85 = arith.constant 0 : i32
    %dma_wait3A_86 = arith.constant 0 : i32
    %dma_wait3A_87 = tpu.memref_slice %arg3[%dma_wait3A_85, %dma_wait3A_86] : memref<100000x1024xf32, #tpu.memory_space<hbm>> -> memref<100000x1024xf32, #tpu.memory_space<hbm>>
    tpu.wait_indirect_dma semaphore(%arg11 : memref<!tpu.dma_semaphore, #tpu.memory_space<semaphore_mem>>) src(%dma_wait3A_87 : memref<100000x1024xf32, #tpu.memory_space<hbm>>) dst(%arg8 : memref<32x1024xf32, #tpu.memory_space<vmem>>)
    %add3A_88 = arith.constant 64 : i32
    %add3A_89 = arith.addi %mul3A_32, %add3A_88 : i32
    %dma_start3A_90 = arith.constant 0 : i32
    %dma_start3A_91 = tpu.memref_slice %arg4[%select_n3A, %add3A_89, %dma_start3A_90] : memref<4x2048x1024xf32, #tpu.memory_space<hbm>> -> memref<1x32x1024xf32, #tpu.memory_space<hbm>>
    %dma_start3A_92 = tpu.memref_squeeze %dma_start3A_91 : memref<1x32x1024xf32, #tpu.memory_space<hbm>> -> memref<32x1024xf32, #tpu.memory_space<hbm>>
    %dma_start3A_93 = arith.constant 0 : i32
    %dma_start3A_94 = tpu.memref_slice %arg4[%select_n3A, %add3A_89, %dma_start3A_93] : memref<4x2048x1024xf32, #tpu.memory_space<hbm>> -> memref<1x32x1024xf32, #tpu.memory_space<hbm>>
    %dma_start3A_95 = tpu.memref_squeeze %dma_start3A_94 : memref<1x32x1024xf32, #tpu.memory_space<hbm>> -> memref<32x1024xf32, #tpu.memory_space<hbm>>
    tpu.enqueue_dma source(%arg8 : memref<32x1024xf32, #tpu.memory_space<vmem>>) target(%dma_start3A_95 : memref<32x1024xf32, #tpu.memory_space<hbm>>) target_semaphore(%arg14 : memref<!tpu.dma_semaphore, #tpu.memory_space<semaphore_mem>>)
    %dma_wait3A_96 = arith.constant 0 : i32
    %dma_wait3A_97 = tpu.memref_slice %arg4[%select_n3A, %add3A_65, %dma_wait3A_96] : memref<4x2048x1024xf32, #tpu.memory_space<hbm>> -> memref<1x32x1024xf32, #tpu.memory_space<hbm>>
    %dma_wait3A_98 = tpu.memref_squeeze %dma_wait3A_97 : memref<1x32x1024xf32, #tpu.memory_space<hbm>> -> memref<32x1024xf32, #tpu.memory_space<hbm>>
    %dma_wait3A_99 = arith.constant 0 : i32
    %dma_wait3A_100 = tpu.memref_slice %arg4[%select_n3A, %add3A_65, %dma_wait3A_99] : memref<4x2048x1024xf32, #tpu.memory_space<hbm>> -> memref<1x32x1024xf32, #tpu.memory_space<hbm>>
    %dma_wait3A_101 = tpu.memref_squeeze %dma_wait3A_100 : memref<1x32x1024xf32, #tpu.memory_space<hbm>> -> memref<32x1024xf32, #tpu.memory_space<hbm>>
    tpu.wait_dma2 semaphore(%arg13 : memref<!tpu.dma_semaphore, #tpu.memory_space<semaphore_mem>>) src(%arg7 : memref<32x1024xf32, #tpu.memory_space<vmem>>) dst(%dma_wait3A_101 : memref<32x1024xf32, #tpu.memory_space<hbm>>)
    %dma_start3A_102 = arith.constant 128 : i32
    %dma_start3A_103 = tpu.memref_slice %arg5[%dma_start3A_102] : memref<256xi32, #tpu.memory_space<vmem>> -> memref<32xi32, #tpu.memory_space<vmem>>
    %dma_start3A_104 = arith.constant 0 : i32
    %dma_start3A_105 = arith.constant 0 : i32
    %dma_start3A_106 = tpu.memref_slice %arg3[%dma_start3A_104, %dma_start3A_105] : memref<100000x1024xf32, #tpu.memory_space<hbm>> -> memref<100000x1024xf32, #tpu.memory_space<hbm>>
    tpu.enqueue_indirect_dma source(%dma_start3A_106 : memref<100000x1024xf32, #tpu.memory_space<hbm>>) target(%arg7 : memref<32x1024xf32, #tpu.memory_space<vmem>>) offsets(%dma_start3A_103 : memref<32xi32, #tpu.memory_space<vmem>>) semaphore(%arg10 : memref<!tpu.dma_semaphore, #tpu.memory_space<semaphore_mem>>)
    %dma_wait3A_107 = arith.constant 96 : i32
    %dma_wait3A_108 = tpu.memref_slice %arg5[%dma_wait3A_107] : memref<256xi32, #tpu.memory_space<vmem>> -> memref<32xi32, #tpu.memory_space<vmem>>
    %dma_wait3A_109 = arith.constant 0 : i32
    %dma_wait3A_110 = arith.constant 0 : i32
    %dma_wait3A_111 = tpu.memref_slice %arg3[%dma_wait3A_109, %dma_wait3A_110] : memref<100000x1024xf32, #tpu.memory_space<hbm>> -> memref<100000x1024xf32, #tpu.memory_space<hbm>>
    tpu.wait_indirect_dma semaphore(%arg9 : memref<!tpu.dma_semaphore, #tpu.memory_space<semaphore_mem>>) src(%dma_wait3A_111 : memref<100000x1024xf32, #tpu.memory_space<hbm>>) dst(%arg6 : memref<32x1024xf32, #tpu.memory_space<vmem>>)
    %add3A_112 = arith.constant 96 : i32
    %add3A_113 = arith.addi %mul3A_32, %add3A_112 : i32
    %dma_start3A_114 = arith.constant 0 : i32
    %dma_start3A_115 = tpu.memref_slice %arg4[%select_n3A, %add3A_113, %dma_start3A_114] : memref<4x2048x1024xf32, #tpu.memory_space<hbm>> -> memref<1x32x1024xf32, #tpu.memory_space<hbm>>
    %dma_start3A_116 = tpu.memref_squeeze %dma_start3A_115 : memref<1x32x1024xf32, #tpu.memory_space<hbm>> -> memref<32x1024xf32, #tpu.memory_space<hbm>>
    %dma_start3A_117 = arith.constant 0 : i32
    %dma_start3A_118 = tpu.memref_slice %arg4[%select_n3A, %add3A_113, %dma_start3A_117] : memref<4x2048x1024xf32, #tpu.memory_space<hbm>> -> memref<1x32x1024xf32, #tpu.memory_space<hbm>>
    %dma_start3A_119 = tpu.memref_squeeze %dma_start3A_118 : memref<1x32x1024xf32, #tpu.memory_space<hbm>> -> memref<32x1024xf32, #tpu.memory_space<hbm>>
    tpu.enqueue_dma source(%arg6 : memref<32x1024xf32, #tpu.memory_space<vmem>>) target(%dma_start3A_119 : memref<32x1024xf32, #tpu.memory_space<hbm>>) target_semaphore(%arg12 : memref<!tpu.dma_semaphore, #tpu.memory_space<semaphore_mem>>)
    %dma_wait3A_120 = arith.constant 0 : i32
    %dma_wait3A_121 = tpu.memref_slice %arg4[%select_n3A, %add3A_89, %dma_wait3A_120] : memref<4x2048x1024xf32, #tpu.memory_space<hbm>> -> memref<1x32x1024xf32, #tpu.memory_space<hbm>>
    %dma_wait3A_122 = tpu.memref_squeeze %dma_wait3A_121 : memref<1x32x1024xf32, #tpu.memory_space<hbm>> -> memref<32x1024xf32, #tpu.memory_space<hbm>>
    %dma_wait3A_123 = arith.constant 0 : i32
    %dma_wait3A_124 = tpu.memref_slice %arg4[%select_n3A, %add3A_89, %dma_wait3A_123] : memref<4x2048x1024xf32, #tpu.memory_space<hbm>> -> memref<1x32x1024xf32, #tpu.memory_space<hbm>>
    %dma_wait3A_125 = tpu.memref_squeeze %dma_wait3A_124 : memref<1x32x1024xf32, #tpu.memory_space<hbm>> -> memref<32x1024xf32, #tpu.memory_space<hbm>>
    tpu.wait_dma2 semaphore(%arg14 : memref<!tpu.dma_semaphore, #tpu.memory_space<semaphore_mem>>) src(%arg8 : memref<32x1024xf32, #tpu.memory_space<vmem>>) dst(%dma_wait3A_125 : memref<32x1024xf32, #tpu.memory_space<hbm>>)
    %dma_start3A_126 = arith.constant 160 : i32
    %dma_start3A_127 = tpu.memref_slice %arg5[%dma_start3A_126] : memref<256xi32, #tpu.memory_space<vmem>> -> memref<32xi32, #tpu.memory_space<vmem>>
    %dma_start3A_128 = arith.constant 0 : i32
    %dma_start3A_129 = arith.constant 0 : i32
    %dma_start3A_130 = tpu.memref_slice %arg3[%dma_start3A_128, %dma_start3A_129] : memref<100000x1024xf32, #tpu.memory_space<hbm>> -> memref<100000x1024xf32, #tpu.memory_space<hbm>>
    tpu.enqueue_indirect_dma source(%dma_start3A_130 : memref<100000x1024xf32, #tpu.memory_space<hbm>>) target(%arg8 : memref<32x1024xf32, #tpu.memory_space<vmem>>) offsets(%dma_start3A_127 : memref<32xi32, #tpu.memory_space<vmem>>) semaphore(%arg11 : memref<!tpu.dma_semaphore, #tpu.memory_space<semaphore_mem>>)
    %dma_wait3A_131 = arith.constant 128 : i32
    %dma_wait3A_132 = tpu.memref_slice %arg5[%dma_wait3A_131] : memref<256xi32, #tpu.memory_space<vmem>> -> memref<32xi32, #tpu.memory_space<vmem>>
    %dma_wait3A_133 = arith.constant 0 : i32
    %dma_wait3A_134 = arith.constant 0 : i32
    %dma_wait3A_135 = tpu.memref_slice %arg3[%dma_wait3A_133, %dma_wait3A_134] : memref<100000x1024xf32, #tpu.memory_space<hbm>> -> memref<100000x1024xf32, #tpu.memory_space<hbm>>
    tpu.wait_indirect_dma semaphore(%arg10 : memref<!tpu.dma_semaphore, #tpu.memory_space<semaphore_mem>>) src(%dma_wait3A_135 : memref<100000x1024xf32, #tpu.memory_space<hbm>>) dst(%arg7 : memref<32x1024xf32, #tpu.memory_space<vmem>>)
    %add3A_136 = arith.constant 128 : i32
    %add3A_137 = arith.addi %mul3A_32, %add3A_136 : i32
    %dma_start3A_138 = arith.constant 0 : i32
    %dma_start3A_139 = tpu.memref_slice %arg4[%select_n3A, %add3A_137, %dma_start3A_138] : memref<4x2048x1024xf32, #tpu.memory_space<hbm>> -> memref<1x32x1024xf32, #tpu.memory_space<hbm>>
    %dma_start3A_140 = tpu.memref_squeeze %dma_start3A_139 : memref<1x32x1024xf32, #tpu.memory_space<hbm>> -> memref<32x1024xf32, #tpu.memory_space<hbm>>
    %dma_start3A_141 = arith.constant 0 : i32
    %dma_start3A_142 = tpu.memref_slice %arg4[%select_n3A, %add3A_137, %dma_start3A_141] : memref<4x2048x1024xf32, #tpu.memory_space<hbm>> -> memref<1x32x1024xf32, #tpu.memory_space<hbm>>
    %dma_start3A_143 = tpu.memref_squeeze %dma_start3A_142 : memref<1x32x1024xf32, #tpu.memory_space<hbm>> -> memref<32x1024xf32, #tpu.memory_space<hbm>>
    tpu.enqueue_dma source(%arg7 : memref<32x1024xf32, #tpu.memory_space<vmem>>) target(%dma_start3A_143 : memref<32x1024xf32, #tpu.memory_space<hbm>>) target_semaphore(%arg13 : memref<!tpu.dma_semaphore, #tpu.memory_space<semaphore_mem>>)
    %dma_wait3A_144 = arith.constant 0 : i32
    %dma_wait3A_145 = tpu.memref_slice %arg4[%select_n3A, %add3A_113, %dma_wait3A_144] : memref<4x2048x1024xf32, #tpu.memory_space<hbm>> -> memref<1x32x1024xf32, #tpu.memory_space<hbm>>
    %dma_wait3A_146 = tpu.memref_squeeze %dma_wait3A_145 : memref<1x32x1024xf32, #tpu.memory_space<hbm>> -> memref<32x1024xf32, #tpu.memory_space<hbm>>
    %dma_wait3A_147 = arith.constant 0 : i32
    %dma_wait3A_148 = tpu.memref_slice %arg4[%select_n3A, %add3A_113, %dma_wait3A_147] : memref<4x2048x1024xf32, #tpu.memory_space<hbm>> -> memref<1x32x1024xf32, #tpu.memory_space<hbm>>
    %dma_wait3A_149 = tpu.memref_squeeze %dma_wait3A_148 : memref<1x32x1024xf32, #tpu.memory_space<hbm>> -> memref<32x1024xf32, #tpu.memory_space<hbm>>
    tpu.wait_dma2 semaphore(%arg12 : memref<!tpu.dma_semaphore, #tpu.memory_space<semaphore_mem>>) src(%arg6 : memref<32x1024xf32, #tpu.memory_space<vmem>>) dst(%dma_wait3A_149 : memref<32x1024xf32, #tpu.memory_space<hbm>>)
    %dma_start3A_150 = arith.constant 192 : i32
    %dma_start3A_151 = tpu.memref_slice %arg5[%dma_start3A_150] : memref<256xi32, #tpu.memory_space<vmem>> -> memref<32xi32, #tpu.memory_space<vmem>>
    %dma_start3A_152 = arith.constant 0 : i32
    %dma_start3A_153 = arith.constant 0 : i32
    %dma_start3A_154 = tpu.memref_slice %arg3[%dma_start3A_152, %dma_start3A_153] : memref<100000x1024xf32, #tpu.memory_space<hbm>> -> memref<100000x1024xf32, #tpu.memory_space<hbm>>
    tpu.enqueue_indirect_dma source(%dma_start3A_154 : memref<100000x1024xf32, #tpu.memory_space<hbm>>) target(%arg6 : memref<32x1024xf32, #tpu.memory_space<vmem>>) offsets(%dma_start3A_151 : memref<32xi32, #tpu.memory_space<vmem>>) semaphore(%arg9 : memref<!tpu.dma_semaphore, #tpu.memory_space<semaphore_mem>>)
    %dma_wait3A_155 = arith.constant 160 : i32
    %dma_wait3A_156 = tpu.memref_slice %arg5[%dma_wait3A_155] : memref<256xi32, #tpu.memory_space<vmem>> -> memref<32xi32, #tpu.memory_space<vmem>>
    %dma_wait3A_157 = arith.constant 0 : i32
    %dma_wait3A_158 = arith.constant 0 : i32
    %dma_wait3A_159 = tpu.memref_slice %arg3[%dma_wait3A_157, %dma_wait3A_158] : memref<100000x1024xf32, #tpu.memory_space<hbm>> -> memref<100000x1024xf32, #tpu.memory_space<hbm>>
    tpu.wait_indirect_dma semaphore(%arg11 : memref<!tpu.dma_semaphore, #tpu.memory_space<semaphore_mem>>) src(%dma_wait3A_159 : memref<100000x1024xf32, #tpu.memory_space<hbm>>) dst(%arg8 : memref<32x1024xf32, #tpu.memory_space<vmem>>)
    %add3A_160 = arith.constant 160 : i32
    %add3A_161 = arith.addi %mul3A_32, %add3A_160 : i32
    %dma_start3A_162 = arith.constant 0 : i32
    %dma_start3A_163 = tpu.memref_slice %arg4[%select_n3A, %add3A_161, %dma_start3A_162] : memref<4x2048x1024xf32, #tpu.memory_space<hbm>> -> memref<1x32x1024xf32, #tpu.memory_space<hbm>>
    %dma_start3A_164 = tpu.memref_squeeze %dma_start3A_163 : memref<1x32x1024xf32, #tpu.memory_space<hbm>> -> memref<32x1024xf32, #tpu.memory_space<hbm>>
    %dma_start3A_165 = arith.constant 0 : i32
    %dma_start3A_166 = tpu.memref_slice %arg4[%select_n3A, %add3A_161, %dma_start3A_165] : memref<4x2048x1024xf32, #tpu.memory_space<hbm>> -> memref<1x32x1024xf32, #tpu.memory_space<hbm>>
    %dma_start3A_167 = tpu.memref_squeeze %dma_start3A_166 : memref<1x32x1024xf32, #tpu.memory_space<hbm>> -> memref<32x1024xf32, #tpu.memory_space<hbm>>
    tpu.enqueue_dma source(%arg8 : memref<32x1024xf32, #tpu.memory_space<vmem>>) target(%dma_start3A_167 : memref<32x1024xf32, #tpu.memory_space<hbm>>) target_semaphore(%arg14 : memref<!tpu.dma_semaphore, #tpu.memory_space<semaphore_mem>>)
    %dma_wait3A_168 = arith.constant 0 : i32
    %dma_wait3A_169 = tpu.memref_slice %arg4[%select_n3A, %add3A_137, %dma_wait3A_168] : memref<4x2048x1024xf32, #tpu.memory_space<hbm>> -> memref<1x32x1024xf32, #tpu.memory_space<hbm>>
    %dma_wait3A_170 = tpu.memref_squeeze %dma_wait3A_169 : memref<1x32x1024xf32, #tpu.memory_space<hbm>> -> memref<32x1024xf32, #tpu.memory_space<hbm>>
    %dma_wait3A_171 = arith.constant 0 : i32
    %dma_wait3A_172 = tpu.memref_slice %arg4[%select_n3A, %add3A_137, %dma_wait3A_171] : memref<4x2048x1024xf32, #tpu.memory_space<hbm>> -> memref<1x32x1024xf32, #tpu.memory_space<hbm>>
    %dma_wait3A_173 = tpu.memref_squeeze %dma_wait3A_172 : memref<1x32x1024xf32, #tpu.memory_space<hbm>> -> memref<32x1024xf32, #tpu.memory_space<hbm>>
    tpu.wait_dma2 semaphore(%arg13 : memref<!tpu.dma_semaphore, #tpu.memory_space<semaphore_mem>>) src(%arg7 : memref<32x1024xf32, #tpu.memory_space<vmem>>) dst(%dma_wait3A_173 : memref<32x1024xf32, #tpu.memory_space<hbm>>)
    %dma_start3A_174 = arith.constant 224 : i32
    %dma_start3A_175 = tpu.memref_slice %arg5[%dma_start3A_174] : memref<256xi32, #tpu.memory_space<vmem>> -> memref<32xi32, #tpu.memory_space<vmem>>
    %dma_start3A_176 = arith.constant 0 : i32
    %dma_start3A_177 = arith.constant 0 : i32
    %dma_start3A_178 = tpu.memref_slice %arg3[%dma_start3A_176, %dma_start3A_177] : memref<100000x1024xf32, #tpu.memory_space<hbm>> -> memref<100000x1024xf32, #tpu.memory_space<hbm>>
    tpu.enqueue_indirect_dma source(%dma_start3A_178 : memref<100000x1024xf32, #tpu.memory_space<hbm>>) target(%arg7 : memref<32x1024xf32, #tpu.memory_space<vmem>>) offsets(%dma_start3A_175 : memref<32xi32, #tpu.memory_space<vmem>>) semaphore(%arg10 : memref<!tpu.dma_semaphore, #tpu.memory_space<semaphore_mem>>)
    %dma_wait3A_179 = arith.constant 192 : i32
    %dma_wait3A_180 = tpu.memref_slice %arg5[%dma_wait3A_179] : memref<256xi32, #tpu.memory_space<vmem>> -> memref<32xi32, #tpu.memory_space<vmem>>
    %dma_wait3A_181 = arith.constant 0 : i32
    %dma_wait3A_182 = arith.constant 0 : i32
    %dma_wait3A_183 = tpu.memref_slice %arg3[%dma_wait3A_181, %dma_wait3A_182] : memref<100000x1024xf32, #tpu.memory_space<hbm>> -> memref<100000x1024xf32, #tpu.memory_space<hbm>>
    tpu.wait_indirect_dma semaphore(%arg9 : memref<!tpu.dma_semaphore, #tpu.memory_space<semaphore_mem>>) src(%dma_wait3A_183 : memref<100000x1024xf32, #tpu.memory_space<hbm>>) dst(%arg6 : memref<32x1024xf32, #tpu.memory_space<vmem>>)
    %add3A_184 = arith.constant 192 : i32
    %add3A_185 = arith.addi %mul3A_32, %add3A_184 : i32
    %dma_start3A_186 = arith.constant 0 : i32
    %dma_start3A_187 = tpu.memref_slice %arg4[%select_n3A, %add3A_185, %dma_start3A_186] : memref<4x2048x1024xf32, #tpu.memory_space<hbm>> -> memref<1x32x1024xf32, #tpu.memory_space<hbm>>
    %dma_start3A_188 = tpu.memref_squeeze %dma_start3A_187 : memref<1x32x1024xf32, #tpu.memory_space<hbm>> -> memref<32x1024xf32, #tpu.memory_space<hbm>>
    %dma_start3A_189 = arith.constant 0 : i32
    %dma_start3A_190 = tpu.memref_slice %arg4[%select_n3A, %add3A_185, %dma_start3A_189] : memref<4x2048x1024xf32, #tpu.memory_space<hbm>> -> memref<1x32x1024xf32, #tpu.memory_space<hbm>>
    %dma_start3A_191 = tpu.memref_squeeze %dma_start3A_190 : memref<1x32x1024xf32, #tpu.memory_space<hbm>> -> memref<32x1024xf32, #tpu.memory_space<hbm>>
    tpu.enqueue_dma source(%arg6 : memref<32x1024xf32, #tpu.memory_space<vmem>>) target(%dma_start3A_191 : memref<32x1024xf32, #tpu.memory_space<hbm>>) target_semaphore(%arg12 : memref<!tpu.dma_semaphore, #tpu.memory_space<semaphore_mem>>)
    %dma_wait3A_192 = arith.constant 224 : i32
    %dma_wait3A_193 = tpu.memref_slice %arg5[%dma_wait3A_192] : memref<256xi32, #tpu.memory_space<vmem>> -> memref<32xi32, #tpu.memory_space<vmem>>
    %dma_wait3A_194 = arith.constant 0 : i32
    %dma_wait3A_195 = arith.constant 0 : i32
    %dma_wait3A_196 = tpu.memref_slice %arg3[%dma_wait3A_194, %dma_wait3A_195] : memref<100000x1024xf32, #tpu.memory_space<hbm>> -> memref<100000x1024xf32, #tpu.memory_space<hbm>>
    tpu.wait_indirect_dma semaphore(%arg10 : memref<!tpu.dma_semaphore, #tpu.memory_space<semaphore_mem>>) src(%dma_wait3A_196 : memref<100000x1024xf32, #tpu.memory_space<hbm>>) dst(%arg7 : memref<32x1024xf32, #tpu.memory_space<vmem>>)
    %add3A_197 = arith.constant 224 : i32
    %add3A_198 = arith.addi %mul3A_32, %add3A_197 : i32
    %dma_start3A_199 = arith.constant 0 : i32
    %dma_start3A_200 = tpu.memref_slice %arg4[%select_n3A, %add3A_198, %dma_start3A_199] : memref<4x2048x1024xf32, #tpu.memory_space<hbm>> -> memref<1x32x1024xf32, #tpu.memory_space<hbm>>
    %dma_start3A_201 = tpu.memref_squeeze %dma_start3A_200 : memref<1x32x1024xf32, #tpu.memory_space<hbm>> -> memref<32x1024xf32, #tpu.memory_space<hbm>>
    %dma_start3A_202 = arith.constant 0 : i32
    %dma_start3A_203 = tpu.memref_slice %arg4[%select_n3A, %add3A_198, %dma_start3A_202] : memref<4x2048x1024xf32, #tpu.memory_space<hbm>> -> memref<1x32x1024xf32, #tpu.memory_space<hbm>>
    %dma_start3A_204 = tpu.memref_squeeze %dma_start3A_203 : memref<1x32x1024xf32, #tpu.memory_space<hbm>> -> memref<32x1024xf32, #tpu.memory_space<hbm>>
    tpu.enqueue_dma source(%arg7 : memref<32x1024xf32, #tpu.memory_space<vmem>>) target(%dma_start3A_204 : memref<32x1024xf32, #tpu.memory_space<hbm>>) target_semaphore(%arg13 : memref<!tpu.dma_semaphore, #tpu.memory_space<semaphore_mem>>)
    %dma_wait3A_205 = arith.constant 0 : i32
    %dma_wait3A_206 = tpu.memref_slice %arg4[%select_n3A, %add3A_161, %dma_wait3A_205] : memref<4x2048x1024xf32, #tpu.memory_space<hbm>> -> memref<1x32x1024xf32, #tpu.memory_space<hbm>>
    %dma_wait3A_207 = tpu.memref_squeeze %dma_wait3A_206 : memref<1x32x1024xf32, #tpu.memory_space<hbm>> -> memref<32x1024xf32, #tpu.memory_space<hbm>>
    %dma_wait3A_208 = arith.constant 0 : i32
    %dma_wait3A_209 = tpu.memref_slice %arg4[%select_n3A, %add3A_161, %dma_wait3A_208] : memref<4x2048x1024xf32, #tpu.memory_space<hbm>> -> memref<1x32x1024xf32, #tpu.memory_space<hbm>>
    %dma_wait3A_210 = tpu.memref_squeeze %dma_wait3A_209 : memref<1x32x1024xf32, #tpu.memory_space<hbm>> -> memref<32x1024xf32, #tpu.memory_space<hbm>>
    tpu.wait_dma2 semaphore(%arg14 : memref<!tpu.dma_semaphore, #tpu.memory_space<semaphore_mem>>) src(%arg8 : memref<32x1024xf32, #tpu.memory_space<vmem>>) dst(%dma_wait3A_210 : memref<32x1024xf32, #tpu.memory_space<hbm>>)
    %dma_wait3A_211 = arith.constant 0 : i32
    %dma_wait3A_212 = tpu.memref_slice %arg4[%select_n3A, %add3A_185, %dma_wait3A_211] : memref<4x2048x1024xf32, #tpu.memory_space<hbm>> -> memref<1x32x1024xf32, #tpu.memory_space<hbm>>
    %dma_wait3A_213 = tpu.memref_squeeze %dma_wait3A_212 : memref<1x32x1024xf32, #tpu.memory_space<hbm>> -> memref<32x1024xf32, #tpu.memory_space<hbm>>
    %dma_wait3A_214 = arith.constant 0 : i32
    %dma_wait3A_215 = tpu.memref_slice %arg4[%select_n3A, %add3A_185, %dma_wait3A_214] : memref<4x2048x1024xf32, #tpu.memory_space<hbm>> -> memref<1x32x1024xf32, #tpu.memory_space<hbm>>
    %dma_wait3A_216 = tpu.memref_squeeze %dma_wait3A_215 : memref<1x32x1024xf32, #tpu.memory_space<hbm>> -> memref<32x1024xf32, #tpu.memory_space<hbm>>
    tpu.wait_dma2 semaphore(%arg12 : memref<!tpu.dma_semaphore, #tpu.memory_space<semaphore_mem>>) src(%arg6 : memref<32x1024xf32, #tpu.memory_space<vmem>>) dst(%dma_wait3A_216 : memref<32x1024xf32, #tpu.memory_space<hbm>>)
    %dma_wait3A_217 = arith.constant 0 : i32
    %dma_wait3A_218 = tpu.memref_slice %arg4[%select_n3A, %add3A_198, %dma_wait3A_217] : memref<4x2048x1024xf32, #tpu.memory_space<hbm>> -> memref<1x32x1024xf32, #tpu.memory_space<hbm>>
    %dma_wait3A_219 = tpu.memref_squeeze %dma_wait3A_218 : memref<1x32x1024xf32, #tpu.memory_space<hbm>> -> memref<32x1024xf32, #tpu.memory_space<hbm>>
    %dma_wait3A_220 = arith.constant 0 : i32
    %dma_wait3A_221 = tpu.memref_slice %arg4[%select_n3A, %add3A_198, %dma_wait3A_220] : memref<4x2048x1024xf32, #tpu.memory_space<hbm>> -> memref<1x32x1024xf32, #tpu.memory_space<hbm>>
    %dma_wait3A_222 = tpu.memref_squeeze %dma_wait3A_221 : memref<1x32x1024xf32, #tpu.memory_space<hbm>> -> memref<32x1024xf32, #tpu.memory_space<hbm>>
    tpu.wait_dma2 semaphore(%arg13 : memref<!tpu.dma_semaphore, #tpu.memory_space<semaphore_mem>>) src(%arg7 : memref<32x1024xf32, #tpu.memory_space<vmem>>) dst(%dma_wait3A_222 : memref<32x1024xf32, #tpu.memory_space<hbm>>)
    return
  }
}

module attributes {stable_mosaic.version = 14 : i64} {
  func.func @_mask_body(%arg0: i32, %arg1: i32, %arg2: memref<4x2048xi32, #tpu.memory_space<vmem>>, %arg3: memref<1x1x1024x2048xf32, #tpu.memory_space<vmem>>, %arg4: memref<3x4x256xi32, #tpu.memory_space<vmem>>) attributes {dimension_semantics = [#tpu.dimension_semantics<arbitrary>, #tpu.dimension_semantics<arbitrary>], iteration_bounds = array<i64: 4, 2>, scalar_prefetch = 0 : i64, scratch_operands = 0 : i64, tpu.core_type = #tpu.core_type<tc>, window_params = [{pipeline_mode = #tpu.pipeline_mode<synchronous>, transform_indices = @transform_0, window_bounds = array<i64: 4, 2048>}, {transform_indices = @transform_1, window_bounds = array<i64: 1, 1, 1024, 2048>}, {transform_indices = @transform_2, window_bounds = array<i64: 3, 4, 256>}]} {
    %mul3A = arith.constant 1024 : i32
    %mul3A_0 = arith.muli %arg1, %mul3A : i32
    %iota3A = tpu.iota {dimensions = array<i32: 0>} : vector<1024x2048xi32>
    %add3A = vector.broadcast %mul3A_0 : i32 to vector<1024x2048xi32>
    %add3A_1 = arith.addi %add3A, %iota3A : vector<1024x2048xi32>
    %iota3A_2 = tpu.iota {dimensions = array<i32: 1>} : vector<1024x2048xi32>
    %get3A = arith.index_cast %arg0 : i32 to index
    %get3A_3 = arith.constant 0 : index
    %get3A_4 = vector.load %arg2[%get3A, %get3A_3] : memref<4x2048xi32, #tpu.memory_space<vmem>>, vector<1x2048xi32>
    %eq3A = arith.constant 0 : i32
    %eq3A_5 = vector.broadcast %eq3A : i32 to vector<1x2048xi32>
    %eq3A_6 = arith.cmpi eq, %get3A_4, %eq3A_5 : vector<1x2048xi32>
    %gt3A = arith.cmpi sgt, %iota3A_2, %add3A_1 : vector<1024x2048xi32>
    %or3A = vector.broadcast %eq3A_6 : vector<1x2048xi1> to vector<1024x2048xi1>
    %or3A_7 = arith.ori %gt3A, %or3A : vector<1024x2048xi1>
    %jit3A = arith.constant 0xFF800000 : f32
    %jit3A_8 = arith.constant 0.000000e+00 : f32
    %broadcast_in_dim3A = vector.broadcast %jit3A : f32 to vector<1024x2048xf32>
    %broadcast_in_dim3A_9 = vector.broadcast %jit3A_8 : f32 to vector<1024x2048xf32>
    %select_n3A = arith.select %or3A_7, %broadcast_in_dim3A, %broadcast_in_dim3A_9 : vector<1024x2048xi1>, vector<1024x2048xf32>
    %swap3A = arith.constant 0 : index
    %swap3A_10 = arith.constant 0 : index
    %swap3A_11 = arith.constant 0 : index
    %swap3A_12 = arith.constant 0 : index
    %swap3A_13 = vector.load %arg3[%swap3A, %swap3A_10, %swap3A_11, %swap3A_12] : memref<1x1x1024x2048xf32, #tpu.memory_space<vmem>>, vector<1x1x1024x2048xf32>
    %swap3A_14 = vector.shape_cast %swap3A_13 : vector<1x1x1024x2048xf32> to vector<1024x2048xf32>
    %swap3A_15 = vector.shape_cast %select_n3A : vector<1024x2048xf32> to vector<1x1x1024x2048xf32>
    tpu.vector_store %arg3[%swap3A, %swap3A_10, %swap3A_11, %swap3A_12], %swap3A_15 {strides = array<i32>} : memref<1x1x1024x2048xf32, #tpu.memory_space<vmem>>, vector<1x1x1024x2048xf32>,
    %mul3A_16 = arith.constant 2 : i32
    %mul3A_17 = arith.muli %arg0, %mul3A_16 : i32
    %add3A_18 = arith.addi %mul3A_17, %arg1 : i32
    %mul3A_19 = arith.constant 256 : i32
    %mul3A_20 = arith.muli %add3A_18, %mul3A_19 : i32
    %iota3A_21 = tpu.iota {dimensions = array<i32: 2>} : vector<3x4x256xi32>
    %add3A_22 = vector.broadcast %mul3A_20 : i32 to vector<3x4x256xi32>
    %add3A_23 = arith.addi %add3A_22, %iota3A_21 : vector<3x4x256xi32>
    %swap3A_24 = arith.constant 0 : index
    %swap3A_25 = arith.constant 0 : index
    %swap3A_26 = arith.constant 0 : index
    %swap3A_27 = vector.load %arg4[%swap3A_24, %swap3A_25, %swap3A_26] : memref<3x4x256xi32, #tpu.memory_space<vmem>>, vector<3x4x256xi32>
    tpu.vector_store %arg4[%swap3A_24, %swap3A_25, %swap3A_26], %add3A_23 {strides = array<i32>} : memref<3x4x256xi32, #tpu.memory_space<vmem>>, vector<3x4x256xi32>,
    return
  }
  func.func @transform_0(%arg0: i32, %arg1: i32) -> (i32, i32) {
    %c0_i32 = arith.constant 0 : i32
    %c0_i32_0 = arith.constant 0 : i32
    %c0_i32_1 = arith.constant 0 : i32
    return %c0_i32, %c0_i32_0 : i32, i32
  }
  func.func @transform_1(%arg0: i32, %arg1: i32) -> (i32, i32, i32, i32) {
    %c0_i32 = arith.constant 0 : i32
    %c0_i32_0 = arith.constant 0 : i32
    %c0_i32_1 = arith.constant 0 : i32
    return %arg0, %c0_i32, %arg1, %c0_i32_0 : i32, i32, i32, i32
  }
  func.func @transform_2(%arg0: i32, %arg1: i32) -> (i32, i32, i32) {
    %mul3A = arith.constant 2 : i32
    %mul3A_0 = arith.muli %arg0, %mul3A : i32
    %add3A = arith.addi %mul3A_0, %arg1 : i32
    %c0_i32 = arith.constant 0 : i32
    %c0_i32_1 = arith.constant 0 : i32
    %c0_i32_2 = arith.constant 0 : i32
    return %c0_i32, %c0_i32_1, %add3A : i32, i32, i32
  }
}

</mosaic_0001>

<sc_bundles>
// kernel: kernel.4.cloned.1.call-start
scs
__scs_entry_jumppad:
0x0: {  	(pc) =	sbr.rel $0x88, $3  }
0x1: {  	(tag) =	ssettag $0x0;
	lr =	simm.s32 $0x1  }
0x2: {  	[smem:$0x3F9E] =	sst lr;
	_ =	strace $0xD0000000  }
0x3: {  	_ = 	snop  }
0x4: {  	_ = 	snop  }
0x5: {  	_ = 	snop  }
0x6: {  	_ = 	snop  }
0x7: {  	_ = 	snop  }
__scs_overlays_trampoline_lowered:
0x8: {  	[smem:$0x3FAD] =	sst s0  }
0x9: {  	[smem:$0x3FAE] =	sst s1  }
0xa: {  	[smem:$0x3FAF] =	sst s2  }
0xb: {  	[smem:$0x3FB0] =	sst s3  }
0xc: {  	[smem:$0x3FB1] =	sst s4  }
0xd: {  	[smem:$0x3FB2] =	sst s5  }
0xe: {  	[smem:$0x3FB3] =	sst s6  }
0xf: {  	[smem:$0x3FB4] =	sst s7  }
0x10: {  	[smem:$0x3FB5] =	sst s8  }
0x11: {  	[smem:$0x3FB6] =	sst s9;
	s0 =	simm.s32 @!p0 $0x0  }
0x12: {  	s1 =	sld [smem:$0x3F9C];
	s0 =	simm.s32 @p0 $0x1  }
0x13: {  	[smem:$0x3FB7] =	sst s0;
	s0 =	simm.s32 @!p1 $0x0  }
0x14: {  	s2 =	sld [smem:$0x3F9B];
	s0 =	simm.s32 @p1 $0x1  }
0x15: {  	[smem:$0x3FB8] =	sst s0;
	s0 =	simm.s32 @!p2 $0x0  }
0x16: {  	s3 =	sld [smem:$0x3FDB];
	s0 =	simm.s32 @p2 $0x1  }
0x17: {  	s4 =	simm.s32 $0x1BF5;
	[smem:$0x3FBA] =	sst s0  }
0x18: {  	s0 =	sld [smem:$0x3F9D];
	_ =	swait.ge [sflag:s4], $0x0  }
0x19: {  	s7 =	sld [smem:$0x3F9E]  }
0x1a: {  	s8 =	sadd.s32 $0xFFFFE003, lr  }
0x1b: {  	s9 =	sadd.s32 $0xFFFFFEF7, lr;
	s5 =	simm.s32 $0xFFFFFFFF;
	p2 =	slt.u32 s8, $0xFFFFF086  }
0x1c: {  	p1 =	slt.u32 s9, $0xF7A;
	s5 =	simm.s32 @!p2 $0x0  }
0x1d: {  	s5 =	simm.s32 @p1 $0x1;
	p0 =	seq.s32 s7, s2  }
0x1e: {  	s7 =	smul.u32 @!p0 $0xF7A, s2;
	p2 =	seq.s32 @!p0 s5, $0x0  }
0x1f: {  	s9 =	smul.u32 $0xF7A, s1;
	s8 =	simm.s32 @!p0 $0x1BF5;
	p2 =	por !p2, p0  }
0x20: {  	[sflag:s8] =	ssyncset.s32 @!p0 $0xFFFFF086;
	s6 =	sadd.s32 @!p0 s3, s7;
	s7 =	simm.s32 @!p0 $0x108  }
0x21: {  	s3 =	sadd.s32 s3, s9;
	s6 =	sadd.s32 @!p0 $0x88, s6;
	s7 =	simm.s32 @p2 $0x1082  }
0x22: {  	[simem:s7], [sflag:s8] =	dma.local @!p0 [hbm:s6], $0xF7A  }
0x23: {  	s9 =	sor.u32 $0xD0000000, s2;
	s6 =	simm.s32 $0x108;
	_ =	swait.ge @!p0 [sflag:s8], $0x0  }
0x24: {  	s3 =	sadd.s32 $0x88, s3;
	s6 =	simm.s32 @!p1 $0x1082;
	[sflag:s4] =	ssyncset.s32 $0xFFFFF086  }
0x25: {  	[simem:s6], [sflag:s4] =	dma.local [hbm:s3], $0xF7A  }
0x26: {  	[smem:$0x3F9E] =	sst s1;
	(tag) =	ssettag s2;
	_ =	strace s9  }
0x27: {  	s1 =	sld [smem:$0x3FAE]  }
0x28: {  	s2 =	sld [smem:$0x3FAF]  }
0x29: {  	s4 =	sld [smem:$0x3FB1]  }
0x2a: {  	p0 =	seq.s32 s5, $0x0;
	s5 =	sld [smem:$0x3FB2]  }
0x2b: {  	s6 =	sld [smem:$0x3FB3]  }
0x2c: {  	s7 =	sld [smem:$0x3FB4]  }
0x2d: {  	s3 =	simm.s32 $0x108;
	s8 =	sld [smem:$0x3FB5]  }
0x2e: {  	s3 =	simm.s32 @!p0 $0x1082;
	s9 =	sld [smem:$0x3FB6]  }
0x2f: {  	lr =	sadd.s32 s0, s3;
	s0 =	sld [smem:$0x3FAD]  }
0x30: {  	s3 =	sld [smem:$0x3FB0]  }
0x31: {  	[smem:$0x3FB9] =	sst s10  }
0x32: {  	s10 =	sld [smem:$0x3FB7];
	_ =	sdelay $0x3  }
0x33: {  	p0 =	seq.s32 s10, $0x1;
	s10 =	sld [smem:$0x3FB9];
	_ =	sdelay $0x3  }
0x34: {  	[smem:$0x3FB9] =	sst s10  }
0x35: {  	s10 =	sld [smem:$0x3FB8];
	_ =	sdelay $0x3  }
0x36: {  	p1 =	seq.s32 s10, $0x1;
	s10 =	sld [smem:$0x3FB9];
	_ =	sdelay $0x3  }
0x37: {  	[smem:$0x3FB9] =	sst s10  }
0x38: {  	s10 =	sld [smem:$0x3FBA]  }
0x39: {  	_ = 	snop;
	(pc) =	sbr.ind lr, $3  }
0x3a: {  	_ = 	snop  }
0x3b: {  	_ = 	snop  }
0x3c: {  	p2 =	seq.s32 s10, $0x1;
	s10 =	sld [smem:$0x3FB9]  }
0x3d: {  	_ =	shalt  }
0x3e: {  	_ =	shalt  }
0x3f: {  	_ =	shalt  }
0x40: {  	_ =	shalt  }
0x41: {  	_ =	shalt  }
0x42: {  	_ =	shalt  }
0x43: {  	_ =	shalt  }
0x44: {  	_ =	shalt  }
0x45: {  	_ =	shalt  }
0x46: {  	_ =	shalt  }
0x47: {  	_ =	shalt  }
0x48: {  	_ =	shalt  }
0x49: {  	_ =	shalt  }
0x4a: {  	_ =	shalt  }
0x4b: {  	_ =	shalt  }
0x4c: {  	_ =	shalt  }
0x4d: {  	_ =	shalt  }
0x4e: {  	_ =	shalt  }
0x4f: {  	_ =	shalt  }
0x50: {  	_ =	shalt  }
0x51: {  	_ =	shalt  }
0x52: {  	_ =	shalt  }
0x53: {  	_ =	shalt  }
0x54: {  	_ =	shalt  }
0x55: {  	_ =	shalt  }
0x56: {  	_ =	shalt  }
0x57: {  	_ =	shalt  }
0x58: {  	_ =	shalt  }
0x59: {  	_ =	shalt  }
0x5a: {  	_ =	shalt  }
0x5b: {  	_ =	shalt  }
0x5c: {  	_ =	shalt  }
0x5d: {  	_ =	shalt  }
0x5e: {  	_ =	shalt  }
0x5f: {  	_ =	shalt  }
0x60: {  	_ =	shalt  }
0x61: {  	_ =	shalt  }
0x62: {  	_ =	shalt  }
0x63: {  	_ =	shalt  }
0x64: {  	_ =	shalt  }
0x65: {  	_ =	shalt  }
0x66: {  	_ =	shalt  }
0x67: {  	_ =	shalt  }
0x68: {  	_ =	shalt  }
0x69: {  	_ =	shalt  }
0x6a: {  	_ =	shalt  }
0x6b: {  	_ =	shalt  }
0x6c: {  	_ =	shalt  }
0x6d: {  	_ =	shalt  }
0x6e: {  	_ =	shalt  }
0x6f: {  	_ =	shalt  }
0x70: {  	_ =	shalt  }
0x71: {  	_ =	shalt  }
0x72: {  	_ =	shalt  }
0x73: {  	_ =	shalt  }
0x74: {  	_ =	shalt  }
0x75: {  	_ =	shalt  }
0x76: {  	_ =	shalt  }
0x77: {  	_ =	shalt  }
0x78: {  	_ =	shalt  }
0x79: {  	_ =	shalt  }
0x7a: {  	_ =	shalt  }
0x7b: {  	_ =	shalt  }
0x7c: {  	_ =	shalt  }
0x7d: {  	_ =	shalt  }
0x7e: {  	_ =	shalt  }
0x7f: {  	_ =	shalt  }
0x80: {  	_ =	shalt  }
0x81: {  	_ =	shalt  }
0x82: {  	_ =	shalt  }
0x83: {  	_ =	shalt  }
0x84: {  	_ =	shalt  }
0x85: {  	_ =	shalt  }
0x86: {  	_ =	shalt  }
0x87: {  	_ =	shalt  }
.Lfunc_end0:
.L_simem_size_0:
called_computation_lowered:
.L_overlay_start_0:
0x88: {  	s2 =	sld [smem:$0x3FD9]  }
0x89: {  	s3 =	sld [smem:$0x3FFE];
	_ =	sdelay $0x1  }
0x8a: {  	s1 =	srdreg.scid  }
0x8b: {  	s0 =	sand.u32 $0x1, s1  }
0x8c: {  	s15 =	sshll.u32 s0, $0xA;
	s2 =	sadd.s32 s3, s2  }
0x8d: {  	s2 =	sadd.s32 s2, s15  }
0x8e: {  	[smem:$0x3FC5] =	sst s2  }
0x8f: {  	_ = 	snop  }
0x90: {  	s2 =	sld [smem:$0x3FD0];
	_ =	sdelay $0x1  }
0x91: {  	s16 =	sld [smem:$0x3FC9]  }
0x92: {  	s5 =	simm.s32 $0xA;
	s6 =	simm.s32 $0x10;
	s4 =	sld [smem:$0x3FC7]  }
0x93: {  	[smem:s6], [sflag:s5] =	dma.local [hbm:s2], $0x1  }
0x94: {  	_ =	swait.eq [sflag:s5], $0x1  }
0x95: {  	[sflag:s5] =	ssyncset.done $0x0  }
0x96: {  	[sflag:s5] =	ssyncadd.s32 $0xFFFFFFFF  }
0x97: {  	s17 =	sld [smem:$0x10];
	(tm) =	ssettm $0x1  }
0x98: {  	s18 =	sld [smem:$0x3FFB];
	_ =	sdelay $0x3  }
0x99: {  	_ =	strace s18  }
0x9a: {  	s5 =	sld [smem:$0x3FFC];
	_ =	sdelay $0x3  }
0x9b: {  	_ =	strace s5  }
0x9c: {  	s5 =	sld [smem:$0x3FFD];
	_ =	sdelay $0x3  }
0x9d: {  	_ =	strace s5  }
0x9e: {  	_ =	strace $0x8FFFFFFF  }
0x9f: {  	s19 =	sld [smem:$0x3FDB];
	_ =	sdelay $0x1  }
0xa0: {  	s20 =	simm.s32 $_scs_section_size  }
0xa1: {  	s7 =	simm.s32 $_size__tile_overlayer_lowered;
	s8 =	simm.s32 $_tile_overlayer_lowered  }
0xa2: {  	s23 =	simm.s32 $0x1BFF;
	s22 =	sshll.u32 s8, $0x1;
	s5 =	sadd.s32 s20, s19  }
0xa3: {  	s9 =	simm.s32 $0x0;
	s21 =	sshll.u32 s7, $0x1;
	s7 =	sadd.s32 s22, s5  }
0xa4: {  	[timem:s9], [sflag:s23] =	dma.local [hbm:s7], s21  }
0xa5: {  	_ =	swait.ge [sflag:s23], s21  }
0xa6: {  	s6 =	ssub.s32 $0x0, s21;
	[sflag:s23] =	ssyncset.done $0x0  }
0xa7: {  	[sflag:s23] =	ssyncadd.s32 s6;
	_ =	sdelay $0x1  }
0xa8: {  	s24 =	simm.s32 $0x1B8B  }
0xa9: {  	_ =	swait.ge [sflag:s24], $0x1  }
0xaa: {  	[sflag:s24] =	ssyncset.done $0x0  }
0xab: {  	s25 =	simm.s32 $0x1B8E;
	[sflag:s24] =	ssyncadd.s32 $0xFFFFFFFF  }
0xac: {  	s26 =	simm.s32 $execute0_lowered;
	[smem:$0x3FD2] =	sst s25  }
0xad: {  	s6 =	sshll.u32 s26, $0x1;
	_ =	strace $0x80000046;
	[dreg:$0x1] =	wrdreg $0xFFFFFFFF  }
0xae: {  	s28 =	simm.s32 $_size_execute0_lowered;
	s5 =	sadd.s32 s5, s6;
	[dreg:$0x0] =	wrdreg $0x0  }
0xaf: {  	s6 =	sshll.u32 s28, $0x1;
	[dreg:$0x2] =	wrdreg s5  }
0xb0: {  	[dreg:$0x3] =	wrdreg s6  }
0xb1: {  	[dreg:$0x4] =	wrdreg $0xC0  }
0xb2: {  	_ =	task [dreg:s9], $0x5FFFF  }
0xb3: {  	[dreg:$0x1] =	wrdreg $0xFFFFFFFF  }
0xb4: {  	[dreg:$0x0] =	wrdreg $0x60  }
0xb5: {  	[dreg:$0x2] =	wrdreg s16  }
0xb6: {  	[dreg:$0x3] =	wrdreg s4  }
0xb7: {  	[dreg:$0x4] =	wrdreg s17  }
0xb8: {  	[dreg:$0x5] =	wrdreg $0x9  }
0xb9: {  	_ =	task.clear_ibuf [dreg:s9], $0x6FFFF;
	_ =	strace $0x90000046  }
0xba: {  	s29 =	simm.s32 $0x9;
	_ =	strace $0x80000048  }
0xbb: {  	_ =	swait.ge [sflag:s29], $0x1  }
0xbc: {  	[sflag:s29] =	ssyncadd.s32 $0xFFFFFFFF  }
0xbd: {  	_ =	strace $0x90000048  }
0xbe: {  	_ =	sfence  }
0xbf: {  	s30 =	sld [smem:$0x0];
	_ =	sdelay $0x2  }
0xc0: {  	s31 =	sshll.u32 s1, $0xD;
	s1 =	sshrl.u32 s1, $0x2  }
0xc1: {  	s3 =	sand.u32 $0x4000, s31;
	s1 =	sadd.s32 s1, s30  }
0xc2: {  	s0 =	sor.u32 s3, s0;
	s1 =	sshll.u32 s1, $0x11  }
0xc3: {  	s0 =	sor.u32 s1, s0  }
0xc4: {  	s0 =	sadd.s32 $0x8F2B, s0  }
0xc5: {  	[sflag:s0] =	ssyncadd.remote.s32 $0x1  }
0xc6: {  	_ =	sfence.sel $0xFFFF  }
0xc7: {  	[dreg:$0x0] =	wrdreg $0xFFFFFFFF;
	(pc) =	sbr.abs _section_cstart, $3  }
0xc8: {  	[dreg:$0x1] =	wrdreg $0xFFFFFFFF  }
0xc9: {  	_ =	task.clear_ibuf [dreg:s9], $0x2FFFF;
	_ =	strace $0x9FFFFFFF  }
0xca: {  	(tm) =	ssettm $0x7FFFFFFF  }
0xcb: {  	_ =	shalt  }
tec
execute0_lowered:
.L_overlay_start_1:
0x0: {  	(tag) =	ssettag $0x1  }
0x1: {  	s0 =	rddreg [dreg:$0x0]  }
0x2: {  	s2 =	rddreg [dreg:$0x1]  }
0x3: {  	s1 =	rddreg [dreg:$0x2];
	s6 =	stileid.u32  }
0x4: {  	s4 =	srdreg.scid;
	s3 =	simm.s32 $0x0;
	s28 =	simm.s32 $0x80  }
0x5: {  	s29 =	simm.s32 $0x200;
	s9 =	simm.s32 $0x10100;
	s11 =	simm.s32 $0x12100  }
0x6: {  	s12 =	simm.s32 $0x12900;
	s13 =	simm.s32 $0x13100;
	s14 =	simm.s32 $0x13900  }
0x7: {  	s15 =	simm.s32 $0x14100;
	s16 =	simm.s32 $0x14900;
	s17 =	simm.s32 $0x15100  }
0x8: {  	s18 =	simm.s32 $0x15900;
	s30 =	simm.s32 $0x16900;
	s5 =	sshll.u32 s6, $0x1  }
0x9: {  	s4 =	sand.u32 $0x1, s4;
	[smem:$0x7FF] =	sst s3;
	s6 =	sshrl.u32 s6, $0x2  }
0xa: {  	s5 =	sand.u32 $0x6, s5;
	s8 =	sshll.u32 s6, $0x4;
	s6 =	sshll.u32 s6, $0x12  }
0xb: {  	_ =	strace $0x80000047;
	[dreg:$0xc] =	wrdreg s28;
	s5 =	sor.u32 s4, s5  }
0xc: {  	s0 =	sadd.s32 s0, s8;
	s7 =	sshll.u32 s5, $0xF;
	s5 =	sshll.u32 s5, $0x7  }
0xd: {  	[dreg:$0xd] =	wrdreg s29;
	s6 =	sor.u32 s6, s7;
	s0 =	sadd.s32 s5, s0  }
0xe: {  	s31 =	simm.s32 $0x17100;
	s6 =	sadd.s32 s1, s6;
	[dreg:$0x4] =	wrdreg s0  }
0xf: {  	s22 =	ssub.s32 $0x2, s4;
	s19 =	sadd.s32 $0x1000, s6;
	[dreg:$0xe] =	wrdreg s6  }
0x10: {  	s4 =	sshrl.u32 s22, $0x1;
	s20 =	sadd.s32 $0x2000, s6;
	[dreg:$0x5] =	wrdreg s19  }
0x11: {  	s5 =	sadd.s32 $0x100, s2;
	s21 =	sadd.s32 $0x3000, s6;
	[dreg:$0x6] =	wrdreg s20  }
0x12: {  	s7 =	sadd.s32 $0x300, s2;
	s23 =	sadd.s32 $0x4000, s6;
	[dreg:$0x7] =	wrdreg s21  }
0x13: {  	s1 =	ssub.s32 s22, s4;
	s24 =	sadd.s32 $0x5000, s6;
	[dreg:$0x8] =	wrdreg s23  }
0x14: {  	s4 =	simm.s32 $0x8100;
	s25 =	sadd.s32 $0x6000, s6;
	[dreg:$0x9] =	wrdreg s24  }
0x15: {  	s22 =	simm.s32 $0x16100;
	s26 =	sadd.s32 $0x7000, s6;
	[dreg:$0xa] =	wrdreg s25  }
0x16: {  	v2 =	vlaneseq.u32;
	s6 =	sadd.s32 $0x200, s2;
	s8 =	smax.u32 s1, $0x1;
	[dreg:$0xb] =	wrdreg s26  }
0x17: {  	vm0 =	vmmov $0xffff;
	v1 =	vshrl.u32 v2, $0x3;
	s19 =	simm.s32 $0x1;
	s20 =	simm.s32 $0x2;
	s21 =	simm.s32 $0x4  }
0x18: {  	v0 =	vand.u32 $0x7, v2;
	v2 =	vor.u32 $0x8, v2;
	v1 =	vmul.u32 $0x8, v1;
	s23 =	simm.s32 $0x5;
	s26 =	simm.s32 $0x100;
	s24 =	simm.s32 $0x17900  }
.LBB2_1:
0x19: {  	s25 =	rddreg [dreg:$0x4]  }
0x1a: {  	s28 =	rddreg [dreg:$0xc]  }
0x1b: {  	s29 =	rddreg [dreg:$0xd]  }
0x1c: {  	[tilespmem:s3], [sflag:$0x7] =	stream.strided.gather [hbm4b:s25+s28], $0x100, s29, s28, $0x38;
	[tilespmem:$0x18100] =	vst v63  }
0x1d: {  	s28 =	simm.s32 $0x7  }
0x1e: {  	_ =	swait.ge [sflag:s28], $0x100  }
0x1f: {  	[sflag:s28] =	ssyncset.done $0x0  }
0x20: {  	[sflag:s28] =	ssyncadd.s32 $0xFFFFFF00  }
0x21: {  	v3 =	vld [tilespmem:$0x0];
	_ =	sdelay $0x4  }
0x22: {  	v4 =	vshll.u32 v3, $0x3  }
0x23: {  	v3 =	vand.u32 $0x7, v3;
	v4 =	vand.u32 $0xFFFFFFC0, v4  }
0x24: {  	v3 =	vor.u32 v3, v4  }
0x25: {  	v4 =	vperm.xlane v3, v0;
	_ =	sdelay $0x1  }
0x26: {  	v4 =	vadd.s32 v1, v4;
	_ =	sdelay $0x4  }
0x27: {  	[tilespmem:s26], [sflag:$0x1] =	stream.indirect_vreg.gather [hbm4b:s2+s3], $0x80, v4, vm0, $0xb8;
	[tilespmem:$0x18100] =	vst v63  }
0x28: {  	s0 =	simm.s32 $0x900;
	v3 =	vperm.xlane v3, v2  }
0x29: {  	[tilespmem:s0], [sflag:$0x1] =	stream.indirect_vreg.gather [hbm4b:s5+s3], $0x80, v4, vm0, $0xb8;
	[tilespmem:$0x18100] =	vst v63  }
0x2a: {  	s29 =	simm.s32 $0x1100;
	v3 =	vadd.s32 v1, v3  }
0x2b: {  	[tilespmem:s29], [sflag:$0x1] =	stream.indirect_vreg.gather [hbm4b:s6+s3], $0x80, v4, vm0, $0xb8;
	[tilespmem:$0x18100] =	vst v63  }
0x2c: {  	s10 =	simm.s32 $0x1900  }
0x2d: {  	[tilespmem:s10], [sflag:$0x1] =	stream.indirect_vreg.gather [hbm4b:s7+s3], $0x80, v4, vm0, $0xb8;
	[tilespmem:$0x18100] =	vst v63  }
0x2e: {  	s25 =	simm.s32 $0x2100  }
0x2f: {  	[tilespmem:s25], [sflag:$0x1] =	stream.indirect_vreg.gather [hbm4b:s2+s3], $0x80, v3, vm0, $0xb8;
	[tilespmem:$0x18100] =	vst v63  }
0x30: {  	s28 =	simm.s32 $0x2900  }
0x31: {  	[tilespmem:s28], [sflag:$0x1] =	stream.indirect_vreg.gather [hbm4b:s5+s3], $0x80, v3, vm0, $0xb8;
	[tilespmem:$0x18100] =	vst v63  }
0x32: {  	s29 =	simm.s32 $0x3100  }
0x33: {  	[tilespmem:s29], [sflag:$0x1] =	stream.indirect_vreg.gather [hbm4b:s6+s3], $0x80, v3, vm0, $0xb8;
	[tilespmem:$0x18100] =	vst v63  }
0x34: {  	s10 =	simm.s32 $0x3900  }
0x35: {  	[tilespmem:s10], [sflag:$0x1] =	stream.indirect_vreg.gather [hbm4b:s7+s3], $0x80, v3, vm0, $0xb8;
	[tilespmem:$0x18100] =	vst v63  }
0x36: {  	v3 =	vld [tilespmem:$0x10];
	_ =	sdelay $0x4  }
0x37: {  	v49 =	vshll.u32 v3, $0x3  }
0x38: {  	v3 =	vand.u32 $0x7, v3;
	v4 =	vand.u32 $0xFFFFFFC0, v49  }
0x39: {  	v3 =	vor.u32 v3, v4  }
0x3a: {  	v4 =	vperm.xlane v3, v0;
	_ =	sdelay $0x1  }
0x3b: {  	v4 =	vadd.s32 v1, v4;
	_ =	sdelay $0x3  }
0x3c: {  	s25 =	simm.s32 $0x4100  }
0x3d: {  	[tilespmem:s25], [sflag:$0x1] =	stream.indirect_vreg.gather [hbm4b:s2+s3], $0x80, v4, vm0, $0xb8;
	[tilespmem:$0x18100] =	vst v63  }
0x3e: {  	s28 =	simm.s32 $0x4900;
	v3 =	vperm.xlane v3, v2  }
0x3f: {  	[tilespmem:s28], [sflag:$0x1] =	stream.indirect_vreg.gather [hbm4b:s5+s3], $0x80, v4, vm0, $0xb8;
	[tilespmem:$0x18100] =	vst v63  }
0x40: {  	s29 =	simm.s32 $0x5100;
	v3 =	vadd.s32 v1, v3  }
0x41: {  	[tilespmem:s29], [sflag:$0x1] =	stream.indirect_vreg.gather [hbm4b:s6+s3], $0x80, v4, vm0, $0xb8;
	[tilespmem:$0x18100] =	vst v63  }
0x42: {  	s10 =	simm.s32 $0x5900  }
0x43: {  	[tilespmem:s10], [sflag:$0x1] =	stream.indirect_vreg.gather [hbm4b:s7+s3], $0x80, v4, vm0, $0xb8;
	[tilespmem:$0x18100] =	vst v63  }
0x44: {  	s25 =	simm.s32 $0x6100  }
0x45: {  	[tilespmem:s25], [sflag:$0x1] =	stream.indirect_vreg.gather [hbm4b:s2+s3], $0x80, v3, vm0, $0xb8;
	[tilespmem:$0x18100] =	vst v63  }
0x46: {  	s28 =	simm.s32 $0x6900  }
0x47: {  	[tilespmem:s28], [sflag:$0x1] =	stream.indirect_vreg.gather [hbm4b:s5+s3], $0x80, v3, vm0, $0xb8;
	[tilespmem:$0x18100] =	vst v63  }
0x48: {  	s29 =	simm.s32 $0x7100  }
0x49: {  	[tilespmem:s29], [sflag:$0x1] =	stream.indirect_vreg.gather [hbm4b:s6+s3], $0x80, v3, vm0, $0xb8;
	[tilespmem:$0x18100] =	vst v63  }
0x4a: {  	s10 =	simm.s32 $0x7900  }
0x4b: {  	[tilespmem:s10], [sflag:$0x1] =	stream.indirect_vreg.gather [hbm4b:s7+s3], $0x80, v3, vm0, $0xb8;
	[tilespmem:$0x18100] =	vst v63  }
0x4c: {  	v3 =	vld [tilespmem:$0x20];
	_ =	sdelay $0x4  }
0x4d: {  	v50 =	vshll.u32 v3, $0x3  }
0x4e: {  	v3 =	vand.u32 $0x7, v3;
	v4 =	vand.u32 $0xFFFFFFC0, v50  }
0x4f: {  	v3 =	vor.u32 v3, v4  }
0x50: {  	v4 =	vperm.xlane v3, v0;
	_ =	sdelay $0x1  }
0x51: {  	v4 =	vadd.s32 v1, v4;
	_ =	sdelay $0x4  }
0x52: {  	[tilespmem:s4], [sflag:$0x2] =	stream.indirect_vreg.gather [hbm4b:s2+s3], $0x80, v4, vm0, $0xb8;
	[tilespmem:$0x18100] =	vst v63  }
0x53: {  	s25 =	simm.s32 $0x8900;
	v3 =	vperm.xlane v3, v2  }
0x54: {  	[tilespmem:s25], [sflag:$0x2] =	stream.indirect_vreg.gather [hbm4b:s5+s3], $0x80, v4, vm0, $0xb8;
	[tilespmem:$0x18100] =	vst v63  }
0x55: {  	s28 =	simm.s32 $0x9100;
	v3 =	vadd.s32 v1, v3  }
0x56: {  	[tilespmem:s28], [sflag:$0x2] =	stream.indirect_vreg.gather [hbm4b:s6+s3], $0x80, v4, vm0, $0xb8;
	[tilespmem:$0x18100] =	vst v63  }
0x57: {  	s29 =	simm.s32 $0x9900  }
0x58: {  	[tilespmem:s29], [sflag:$0x2] =	stream.indirect_vreg.gather [hbm4b:s7+s3], $0x80, v4, vm0, $0xb8;
	[tilespmem:$0x18100] =	vst v63  }
0x59: {  	s10 =	simm.s32 $0xA100  }
0x5a: {  	[tilespmem:s10], [sflag:$0x2] =	stream.indirect_vreg.gather [hbm4b:s2+s3], $0x80, v3, vm0, $0xb8;
	[tilespmem:$0x18100] =	vst v63  }
0x5b: {  	s25 =	simm.s32 $0xA900  }
0x5c: {  	[tilespmem:s25], [sflag:$0x2] =	stream.indirect_vreg.gather [hbm4b:s5+s3], $0x80, v3, vm0, $0xb8;
	[tilespmem:$0x18100] =	vst v63  }
0x5d: {  	s28 =	simm.s32 $0xB100  }
0x5e: {  	[tilespmem:s28], [sflag:$0x2] =	stream.indirect_vreg.gather [hbm4b:s6+s3], $0x80, v3, vm0, $0xb8;
	[tilespmem:$0x18100] =	vst v63  }
0x5f: {  	s29 =	simm.s32 $0xB900  }
0x60: {  	[tilespmem:s29], [sflag:$0x2] =	stream.indirect_vreg.gather [hbm4b:s7+s3], $0x80, v3, vm0, $0xb8;
	[tilespmem:$0x18100] =	vst v63  }
0x61: {  	v3 =	vld [tilespmem:$0x30];
	_ =	sdelay $0x4  }
0x62: {  	v51 =	vshll.u32 v3, $0x3  }
0x63: {  	v3 =	vand.u32 $0x7, v3;
	v4 =	vand.u32 $0xFFFFFFC0, v51  }
0x64: {  	v3 =	vor.u32 v3, v4  }
0x65: {  	v4 =	vperm.xlane v3, v0;
	_ =	sdelay $0x1  }
0x66: {  	v4 =	vadd.s32 v1, v4;
	_ =	sdelay $0x3  }
0x67: {  	s10 =	simm.s32 $0xC100  }
0x68: {  	[tilespmem:s10], [sflag:$0x2] =	stream.indirect_vreg.gather [hbm4b:s2+s3], $0x80, v4, vm0, $0xb8;
	[tilespmem:$0x18100] =	vst v63  }
0x69: {  	s25 =	simm.s32 $0xC900;
	v3 =	vperm.xlane v3, v2  }
0x6a: {  	[tilespmem:s25], [sflag:$0x2] =	stream.indirect_vreg.gather [hbm4b:s5+s3], $0x80, v4, vm0, $0xb8;
	[tilespmem:$0x18100] =	vst v63  }
0x6b: {  	s28 =	simm.s32 $0xD100;
	v3 =	vadd.s32 v1, v3  }
0x6c: {  	[tilespmem:s28], [sflag:$0x2] =	stream.indirect_vreg.gather [hbm4b:s6+s3], $0x80, v4, vm0, $0xb8;
	[tilespmem:$0x18100] =	vst v63  }
0x6d: {  	s29 =	simm.s32 $0xD900  }
0x6e: {  	[tilespmem:s29], [sflag:$0x2] =	stream.indirect_vreg.gather [hbm4b:s7+s3], $0x80, v4, vm0, $0xb8;
	[tilespmem:$0x18100] =	vst v63  }
0x6f: {  	s10 =	simm.s32 $0xE100  }
0x70: {  	[tilespmem:s10], [sflag:$0x2] =	stream.indirect_vreg.gather [hbm4b:s2+s3], $0x80, v3, vm0, $0xb8;
	[tilespmem:$0x18100] =	vst v63  }
0x71: {  	s25 =	simm.s32 $0xE900  }
0x72: {  	[tilespmem:s25], [sflag:$0x2] =	stream.indirect_vreg.gather [hbm4b:s5+s3], $0x80, v3, vm0, $0xb8;
	[tilespmem:$0x18100] =	vst v63  }
0x73: {  	s28 =	simm.s32 $0xF100  }
0x74: {  	[tilespmem:s28], [sflag:$0x2] =	stream.indirect_vreg.gather [hbm4b:s6+s3], $0x80, v3, vm0, $0xb8;
	[tilespmem:$0x18100] =	vst v63  }
0x75: {  	s29 =	simm.s32 $0xF900  }
0x76: {  	[tilespmem:s29], [sflag:$0x2] =	stream.indirect_vreg.gather [hbm4b:s7+s3], $0x80, v3, vm0, $0xb8;
	[tilespmem:$0x18100] =	vst v63  }
0x77: {  	v3 =	vld [tilespmem:$0x40];
	_ =	sdelay $0x4  }
0x78: {  	v52 =	vshll.u32 v3, $0x3  }
0x79: {  	v3 =	vand.u32 $0x7, v3;
	v4 =	vand.u32 $0xFFFFFFC0, v52  }
0x7a: {  	v3 =	vor.u32 v3, v4  }
0x7b: {  	v4 =	vperm.xlane v3, v0;
	_ =	sdelay $0x1  }
0x7c: {  	v4 =	vadd.s32 v1, v4;
	_ =	sdelay $0x4  }
0x7d: {  	[tilespmem:s9], [sflag:$0x3] =	stream.indirect_vreg.gather [hbm4b:s2+s3], $0x80, v4, vm0, $0xb8;
	[tilespmem:$0x18100] =	vst v63  }
0x7e: {  	s28 =	simm.s32 $0x10900;
	v3 =	vperm.xlane v3, v2  }
0x7f: {  	[tilespmem:s28], [sflag:$0x3] =	stream.indirect_vreg.gather [hbm4b:s5+s3], $0x80, v4, vm0, $0xb8;
	[tilespmem:$0x18100] =	vst v63  }
0x80: {  	s29 =	simm.s32 $0x11100;
	v3 =	vadd.s32 v1, v3  }
0x81: {  	[tilespmem:s29], [sflag:$0x3] =	stream.indirect_vreg.gather [hbm4b:s6+s3], $0x80, v4, vm0, $0xb8;
	[tilespmem:$0x18100] =	vst v63  }
0x82: {  	s10 =	simm.s32 $0x11900  }
0x83: {  	[tilespmem:s10], [sflag:$0x3] =	stream.indirect_vreg.gather [hbm4b:s7+s3], $0x80, v4, vm0, $0xb8;
	[tilespmem:$0x18100] =	vst v63  }
0x84: {  	_ = 	snop  }
0x85: {  	[tilespmem:s11], [sflag:$0x3] =	stream.indirect_vreg.gather [hbm4b:s2+s3], $0x80, v3, vm0, $0xb8;
	[tilespmem:$0x18100] =	vst v63  }
0x86: {  	_ = 	snop  }
0x87: {  	[tilespmem:s12], [sflag:$0x3] =	stream.indirect_vreg.gather [hbm4b:s5+s3], $0x80, v3, vm0, $0xb8;
	[tilespmem:$0x18100] =	vst v63  }
0x88: {  	_ = 	snop  }
0x89: {  	[tilespmem:s13], [sflag:$0x3] =	stream.indirect_vreg.gather [hbm4b:s6+s3], $0x80, v3, vm0, $0xb8;
	[tilespmem:$0x18100] =	vst v63  }
0x8a: {  	_ = 	snop  }
0x8b: {  	[tilespmem:s14], [sflag:$0x3] =	stream.indirect_vreg.gather [hbm4b:s7+s3], $0x80, v3, vm0, $0xb8;
	[tilespmem:$0x18100] =	vst v63  }
0x8c: {  	v3 =	vld [tilespmem:$0x50];
	_ =	sdelay $0x4  }
0x8d: {  	v53 =	vshll.u32 v3, $0x3  }
0x8e: {  	v3 =	vand.u32 $0x7, v3;
	v4 =	vand.u32 $0xFFFFFFC0, v53  }
0x8f: {  	v3 =	vor.u32 v3, v4  }
0x90: {  	v4 =	vperm.xlane v3, v0;
	_ =	sdelay $0x1  }
0x91: {  	v4 =	vadd.s32 v1, v4;
	_ =	sdelay $0x4  }
0x92: {  	[tilespmem:s15], [sflag:$0x3] =	stream.indirect_vreg.gather [hbm4b:s2+s3], $0x80, v4, vm0, $0xb8;
	[tilespmem:$0x18100] =	vst v63  }
0x93: {  	v3 =	vperm.xlane v3, v2  }
0x94: {  	[tilespmem:s16], [sflag:$0x3] =	stream.indirect_vreg.gather [hbm4b:s5+s3], $0x80, v4, vm0, $0xb8;
	[tilespmem:$0x18100] =	vst v63  }
0x95: {  	v3 =	vadd.s32 v1, v3  }
0x96: {  	[tilespmem:s17], [sflag:$0x3] =	stream.indirect_vreg.gather [hbm4b:s6+s3], $0x80, v4, vm0, $0xb8;
	[tilespmem:$0x18100] =	vst v63  }
0x97: {  	_ = 	snop  }
0x98: {  	[tilespmem:s18], [sflag:$0x3] =	stream.indirect_vreg.gather [hbm4b:s7+s3], $0x80, v4, vm0, $0xb8;
	[tilespmem:$0x18100] =	vst v63  }
0x99: {  	_ = 	snop  }
0x9a: {  	[tilespmem:s22], [sflag:$0x3] =	stream.indirect_vreg.gather [hbm4b:s2+s3], $0x80, v3, vm0, $0xb8;
	[tilespmem:$0x18100] =	vst v63  }
0x9b: {  	_ = 	snop  }
0x9c: {  	[tilespmem:s30], [sflag:$0x3] =	stream.indirect_vreg.gather [hbm4b:s5+s3], $0x80, v3, vm0, $0xb8;
	[tilespmem:$0x18100] =	vst v63  }
0x9d: {  	_ = 	snop  }
0x9e: {  	[tilespmem:s31], [sflag:$0x3] =	stream.indirect_vreg.gather [hbm4b:s6+s3], $0x80, v3, vm0, $0xb8;
	[tilespmem:$0x18100] =	vst v63  }
0x9f: {  	_ = 	snop  }
0xa0: {  	[tilespmem:s24], [sflag:$0x3] =	stream.indirect_vreg.gather [hbm4b:s7+s3], $0x80, v3, vm0, $0xb8;
	[tilespmem:$0x18100] =	vst v63  }
0xa1: {  	_ =	swait.ge [sflag:s19], $0x8000  }
0xa2: {  	[sflag:s19] =	ssyncset.done $0x0  }
0xa3: {  	s0 =	rddreg [dreg:$0xe];
	[sflag:s19] =	ssyncadd.s32 $0xFFFF8000  }
0xa4: {  	[hbm4b:s0+s3] =	stream.linear.scatter [tilespmem:s26], [sflag:$0x4], $0x8000, $0x38;
	[tilespmem:$0x18100] =	vst v63  }
0xa5: {  	_ =	swait.ge [sflag:s20], $0x8000  }
0xa6: {  	[sflag:s20] =	ssyncset.done $0x0  }
0xa7: {  	s0 =	rddreg [dreg:$0x5];
	[sflag:s20] =	ssyncadd.s32 $0xFFFF8000  }
0xa8: {  	[hbm4b:s0+s3] =	stream.linear.scatter [tilespmem:s4], [sflag:$0x5], $0x8000, $0x38;
	[tilespmem:$0x18100] =	vst v63  }
0xa9: {  	_ =	swait.ge [sflag:s21], $0x8000  }
0xaa: {  	[sflag:s21] =	ssyncset.done $0x0  }
0xab: {  	[sflag:s21] =	ssyncadd.s32 $0xFFFF8000  }
0xac: {  	v3 =	vld [tilespmem:$0x60];
	_ =	sdelay $0x4  }
0xad: {  	v54 =	vshll.u32 v3, $0x3  }
0xae: {  	v3 =	vand.u32 $0x7, v3;
	v4 =	vand.u32 $0xFFFFFFC0, v54  }
0xaf: {  	v3 =	vor.u32 v3, v4  }
0xb0: {  	v4 =	vperm.xlane v3, v0;
	_ =	sdelay $0x1  }
0xb1: {  	v4 =	vadd.s32 v1, v4;
	_ =	sdelay $0x4  }
0xb2: {  	[tilespmem:s26], [sflag:$0x1] =	stream.indirect_vreg.gather [hbm4b:s2+s3], $0x80, v4, vm0, $0xb8;
	[tilespmem:$0x18100] =	vst v63  }
0xb3: {  	s1 =	simm.s32 $0x900;
	v3 =	vperm.xlane v3, v2  }
0xb4: {  	[tilespmem:s1], [sflag:$0x1] =	stream.indirect_vreg.gather [hbm4b:s5+s3], $0x80, v4, vm0, $0xb8;
	[tilespmem:$0x18100] =	vst v63  }
0xb5: {  	v3 =	vadd.s32 v1, v3;
	s1 =	simm.s32 $0x1100  }
0xb6: {  	[tilespmem:s1], [sflag:$0x1] =	stream.indirect_vreg.gather [hbm4b:s6+s3], $0x80, v4, vm0, $0xb8;
	[tilespmem:$0x18100] =	vst v63  }
0xb7: {  	s25 =	simm.s32 $0x1900  }
0xb8: {  	[tilespmem:s25], [sflag:$0x1] =	stream.indirect_vreg.gather [hbm4b:s7+s3], $0x80, v4, vm0, $0xb8;
	[tilespmem:$0x18100] =	vst v63  }
0xb9: {  	s1 =	simm.s32 $0x2100  }
0xba: {  	[tilespmem:s1], [sflag:$0x1] =	stream.indirect_vreg.gather [hbm4b:s2+s3], $0x80, v3, vm0, $0xb8;
	[tilespmem:$0x18100] =	vst v63  }
0xbb: {  	s25 =	simm.s32 $0x2900  }
0xbc: {  	[tilespmem:s25], [sflag:$0x1] =	stream.indirect_vreg.gather [hbm4b:s5+s3], $0x80, v3, vm0, $0xb8;
	[tilespmem:$0x18100] =	vst v63  }
0xbd: {  	s1 =	simm.s32 $0x3100  }
0xbe: {  	[tilespmem:s1], [sflag:$0x1] =	stream.indirect_vreg.gather [hbm4b:s6+s3], $0x80, v3, vm0, $0xb8;
	[tilespmem:$0x18100] =	vst v63  }
0xbf: {  	s25 =	simm.s32 $0x3900  }
0xc0: {  	[tilespmem:s25], [sflag:$0x1] =	stream.indirect_vreg.gather [hbm4b:s7+s3], $0x80, v3, vm0, $0xb8;
	[tilespmem:$0x18100] =	vst v63  }
0xc1: {  	v3 =	vld [tilespmem:$0x70];
	_ =	sdelay $0x4  }
0xc2: {  	v55 =	vshll.u32 v3, $0x3  }
0xc3: {  	v3 =	vand.u32 $0x7, v3;
	v4 =	vand.u32 $0xFFFFFFC0, v55  }
0xc4: {  	v3 =	vor.u32 v3, v4  }
0xc5: {  	v4 =	vperm.xlane v3, v0;
	_ =	sdelay $0x1  }
0xc6: {  	v4 =	vadd.s32 v1, v4;
	_ =	sdelay $0x3  }
0xc7: {  	s1 =	simm.s32 $0x4100  }
0xc8: {  	[tilespmem:s1], [sflag:$0x1] =	stream.indirect_vreg.gather [hbm4b:s2+s3], $0x80, v4, vm0, $0xb8;
	[tilespmem:$0x18100] =	vst v63  }
0xc9: {  	s25 =	simm.s32 $0x4900;
	v3 =	vperm.xlane v3, v2  }
0xca: {  	[tilespmem:s25], [sflag:$0x1] =	stream.indirect_vreg.gather [hbm4b:s5+s3], $0x80, v4, vm0, $0xb8;
	[tilespmem:$0x18100] =	vst v63  }
0xcb: {  	v3 =	vadd.s32 v1, v3;
	s1 =	simm.s32 $0x5100  }
0xcc: {  	[tilespmem:s1], [sflag:$0x1] =	stream.indirect_vreg.gather [hbm4b:s6+s3], $0x80, v4, vm0, $0xb8;
	[tilespmem:$0x18100] =	vst v63  }
0xcd: {  	s25 =	simm.s32 $0x5900  }
0xce: {  	[tilespmem:s25], [sflag:$0x1] =	stream.indirect_vreg.gather [hbm4b:s7+s3], $0x80, v4, vm0, $0xb8;
	[tilespmem:$0x18100] =	vst v63  }
0xcf: {  	s1 =	simm.s32 $0x6100  }
0xd0: {  	[tilespmem:s1], [sflag:$0x1] =	stream.indirect_vreg.gather [hbm4b:s2+s3], $0x80, v3, vm0, $0xb8;
	[tilespmem:$0x18100] =	vst v63  }
0xd1: {  	s25 =	simm.s32 $0x6900  }
0xd2: {  	[tilespmem:s25], [sflag:$0x1] =	stream.indirect_vreg.gather [hbm4b:s5+s3], $0x80, v3, vm0, $0xb8;
	[tilespmem:$0x18100] =	vst v63  }
0xd3: {  	s1 =	simm.s32 $0x7100  }
0xd4: {  	[tilespmem:s1], [sflag:$0x1] =	stream.indirect_vreg.gather [hbm4b:s6+s3], $0x80, v3, vm0, $0xb8;
	[tilespmem:$0x18100] =	vst v63  }
0xd5: {  	s0 =	simm.s32 $0x3;
	s25 =	simm.s32 $0x7900  }
0xd6: {  	[tilespmem:s25], [sflag:$0x1] =	stream.indirect_vreg.gather [hbm4b:s7+s3], $0x80, v3, vm0, $0xb8;
	[tilespmem:$0x18100] =	vst v63  }
0xd7: {  	_ =	swait.ge [sflag:s0], $0x8000  }
0xd8: {  	[sflag:s0] =	ssyncset.done $0x0  }
0xd9: {  	s1 =	rddreg [dreg:$0x6];
	[sflag:s0] =	ssyncadd.s32 $0xFFFF8000  }
0xda: {  	[hbm4b:s1+s3] =	stream.linear.scatter [tilespmem:s9], [sflag:$0x6], $0x8000, $0x38;
	[tilespmem:$0x18100] =	vst v63  }
0xdb: {  	_ =	swait.ge [sflag:s23], $0x8000  }
0xdc: {  	[sflag:s23] =	ssyncset.done $0x0  }
0xdd: {  	[sflag:s23] =	ssyncadd.s32 $0xFFFF8000  }
0xde: {  	v3 =	vld [tilespmem:$0x80];
	_ =	sdelay $0x4  }
0xdf: {  	v56 =	vshll.u32 v3, $0x3  }
0xe0: {  	v3 =	vand.u32 $0x7, v3;
	v4 =	vand.u32 $0xFFFFFFC0, v56  }
0xe1: {  	v3 =	vor.u32 v3, v4  }
0xe2: {  	v4 =	vperm.xlane v3, v0;
	_ =	sdelay $0x1  }
0xe3: {  	v4 =	vadd.s32 v1, v4;
	_ =	sdelay $0x4  }
0xe4: {  	[tilespmem:s4], [sflag:$0x2] =	stream.indirect_vreg.gather [hbm4b:s2+s3], $0x80, v4, vm0, $0xb8;
	[tilespmem:$0x18100] =	vst v63  }
0xe5: {  	s25 =	simm.s32 $0x8900;
	v3 =	vperm.xlane v3, v2  }
0xe6: {  	[tilespmem:s25], [sflag:$0x2] =	stream.indirect_vreg.gather [hbm4b:s5+s3], $0x80, v4, vm0, $0xb8;
	[tilespmem:$0x18100] =	vst v63  }
0xe7: {  	v3 =	vadd.s32 v1, v3;
	s25 =	simm.s32 $0x9100  }
0xe8: {  	[tilespmem:s25], [sflag:$0x2] =	stream.indirect_vreg.gather [hbm4b:s6+s3], $0x80, v4, vm0, $0xb8;
	[tilespmem:$0x18100] =	vst v63  }
0xe9: {  	s25 =	simm.s32 $0x9900  }
0xea: {  	[tilespmem:s25], [sflag:$0x2] =	stream.indirect_vreg.gather [hbm4b:s7+s3], $0x80, v4, vm0, $0xb8;
	[tilespmem:$0x18100] =	vst v63  }
0xeb: {  	s25 =	simm.s32 $0xA100  }
0xec: {  	[tilespmem:s25], [sflag:$0x2] =	stream.indirect_vreg.gather [hbm4b:s2+s3], $0x80, v3, vm0, $0xb8;
	[tilespmem:$0x18100] =	vst v63  }
0xed: {  	s25 =	simm.s32 $0xA900  }
0xee: {  	[tilespmem:s25], [sflag:$0x2] =	stream.indirect_vreg.gather [hbm4b:s5+s3], $0x80, v3, vm0, $0xb8;
	[tilespmem:$0x18100] =	vst v63  }
0xef: {  	s25 =	simm.s32 $0xB100  }
0xf0: {  	[tilespmem:s25], [sflag:$0x2] =	stream.indirect_vreg.gather [hbm4b:s6+s3], $0x80, v3, vm0, $0xb8;
	[tilespmem:$0x18100] =	vst v63  }
0xf1: {  	s25 =	simm.s32 $0xB900  }
0xf2: {  	[tilespmem:s25], [sflag:$0x2] =	stream.indirect_vreg.gather [hbm4b:s7+s3], $0x80, v3, vm0, $0xb8;
	[tilespmem:$0x18100] =	vst v63  }
0xf3: {  	v3 =	vld [tilespmem:$0x90];
	_ =	sdelay $0x4  }
0xf4: {  	v57 =	vshll.u32 v3, $0x3  }
0xf5: {  	v3 =	vand.u32 $0x7, v3;
	v4 =	vand.u32 $0xFFFFFFC0, v57  }
0xf6: {  	v3 =	vor.u32 v3, v4  }
0xf7: {  	v4 =	vperm.xlane v3, v0;
	_ =	sdelay $0x1  }
0xf8: {  	v4 =	vadd.s32 v1, v4;
	_ =	sdelay $0x3  }
0xf9: {  	s25 =	simm.s32 $0xC100  }
0xfa: {  	[tilespmem:s25], [sflag:$0x2] =	stream.indirect_vreg.gather [hbm4b:s2+s3], $0x80, v4, vm0, $0xb8;
	[tilespmem:$0x18100] =	vst v63  }
0xfb: {  	v3 =	vperm.xlane v3, v2;
	s25 =	simm.s32 $0xC900  }
0xfc: {  	[tilespmem:s25], [sflag:$0x2] =	stream.indirect_vreg.gather [hbm4b:s5+s3], $0x80, v4, vm0, $0xb8;
	[tilespmem:$0x18100] =	vst v63  }
0xfd: {  	v3 =	vadd.s32 v1, v3;
	s25 =	simm.s32 $0xD100  }
0xfe: {  	[tilespmem:s25], [sflag:$0x2] =	stream.indirect_vreg.gather [hbm4b:s6+s3], $0x80, v4, vm0, $0xb8;
	[tilespmem:$0x18100] =	vst v63  }
0xff: {  	s25 =	simm.s32 $0xD900  }
0x100: {  	[tilespmem:s25], [sflag:$0x2] =	stream.indirect_vreg.gather [hbm4b:s7+s3], $0x80, v4, vm0, $0xb8;
	[tilespmem:$0x18100] =	vst v63  }
0x101: {  	s25 =	simm.s32 $0xE100  }
0x102: {  	[tilespmem:s25], [sflag:$0x2] =	stream.indirect_vreg.gather [hbm4b:s2+s3], $0x80, v3, vm0, $0xb8;
	[tilespmem:$0x18100] =	vst v63  }
0x103: {  	s25 =	simm.s32 $0xE900  }
0x104: {  	[tilespmem:s25], [sflag:$0x2] =	stream.indirect_vreg.gather [hbm4b:s5+s3], $0x80, v3, vm0, $0xb8;
	[tilespmem:$0x18100] =	vst v63  }
0x105: {  	s25 =	simm.s32 $0xF100  }
0x106: {  	[tilespmem:s25], [sflag:$0x2] =	stream.indirect_vreg.gather [hbm4b:s6+s3], $0x80, v3, vm0, $0xb8;
	[tilespmem:$0x18100] =	vst v63  }
0x107: {  	s25 =	simm.s32 $0xF900  }
0x108: {  	[tilespmem:s25], [sflag:$0x2] =	stream.indirect_vreg.gather [hbm4b:s7+s3], $0x80, v3, vm0, $0xb8;
	[tilespmem:$0x18100] =	vst v63  }
0x109: {  	_ =	swait.ge [sflag:s19], $0x8000  }
0x10a: {  	[sflag:s19] =	ssyncset.done $0x0  }
0x10b: {  	s1 =	rddreg [dreg:$0x7];
	[sflag:s19] =	ssyncadd.s32 $0xFFFF8000  }
0x10c: {  	[hbm4b:s1+s3] =	stream.linear.scatter [tilespmem:s26], [sflag:$0x4], $0x8000, $0x38;
	[tilespmem:$0x18100] =	vst v63  }
0x10d: {  	s1 =	simm.s32 $0x6  }
0x10e: {  	_ =	swait.ge [sflag:s1], $0x8000  }
0x10f: {  	[sflag:s1] =	ssyncset.done $0x0  }
0x110: {  	[sflag:s1] =	ssyncadd.s32 $0xFFFF8000  }
0x111: {  	v3 =	vld [tilespmem:$0xA0];
	_ =	sdelay $0x4  }
0x112: {  	v58 =	vshll.u32 v3, $0x3  }
0x113: {  	v3 =	vand.u32 $0x7, v3;
	v4 =	vand.u32 $0xFFFFFFC0, v58  }
0x114: {  	v3 =	vor.u32 v3, v4  }
0x115: {  	v4 =	vperm.xlane v3, v0;
	_ =	sdelay $0x1  }
0x116: {  	v4 =	vadd.s32 v1, v4;
	_ =	sdelay $0x4  }
0x117: {  	[tilespmem:s9], [sflag:$0x3] =	stream.indirect_vreg.gather [hbm4b:s2+s3], $0x80, v4, vm0, $0xb8;
	[tilespmem:$0x18100] =	vst v63  }
0x118: {  	v3 =	vperm.xlane v3, v2  }
0x119: {  	[tilespmem:s28], [sflag:$0x3] =	stream.indirect_vreg.gather [hbm4b:s5+s3], $0x80, v4, vm0, $0xb8;
	[tilespmem:$0x18100] =	vst v63  }
0x11a: {  	v3 =	vadd.s32 v1, v3  }
0x11b: {  	[tilespmem:s29], [sflag:$0x3] =	stream.indirect_vreg.gather [hbm4b:s6+s3], $0x80, v4, vm0, $0xb8;
	[tilespmem:$0x18100] =	vst v63  }
0x11c: {  	_ = 	snop  }
0x11d: {  	[tilespmem:s10], [sflag:$0x3] =	stream.indirect_vreg.gather [hbm4b:s7+s3], $0x80, v4, vm0, $0xb8;
	[tilespmem:$0x18100] =	vst v63  }
0x11e: {  	_ = 	snop  }
0x11f: {  	[tilespmem:s11], [sflag:$0x3] =	stream.indirect_vreg.gather [hbm4b:s2+s3], $0x80, v3, vm0, $0xb8;
	[tilespmem:$0x18100] =	vst v63  }
0x120: {  	_ = 	snop  }
0x121: {  	[tilespmem:s12], [sflag:$0x3] =	stream.indirect_vreg.gather [hbm4b:s5+s3], $0x80, v3, vm0, $0xb8;
	[tilespmem:$0x18100] =	vst v63  }
0x122: {  	_ = 	snop  }
0x123: {  	[tilespmem:s13], [sflag:$0x3] =	stream.indirect_vreg.gather [hbm4b:s6+s3], $0x80, v3, vm0, $0xb8;
	[tilespmem:$0x18100] =	vst v63  }
0x124: {  	_ = 	snop  }
0x125: {  	[tilespmem:s14], [sflag:$0x3] =	stream.indirect_vreg.gather [hbm4b:s7+s3], $0x80, v3, vm0, $0xb8;
	[tilespmem:$0x18100] =	vst v63  }
0x126: {  	v3 =	vld [tilespmem:$0xB0];
	_ =	sdelay $0x4  }
0x127: {  	v59 =	vshll.u32 v3, $0x3  }
0x128: {  	v3 =	vand.u32 $0x7, v3;
	v4 =	vand.u32 $0xFFFFFFC0, v59  }
0x129: {  	v3 =	vor.u32 v3, v4  }
0x12a: {  	v4 =	vperm.xlane v3, v0;
	_ =	sdelay $0x1  }
0x12b: {  	v4 =	vadd.s32 v1, v4;
	_ =	sdelay $0x4  }
0x12c: {  	[tilespmem:s15], [sflag:$0x3] =	stream.indirect_vreg.gather [hbm4b:s2+s3], $0x80, v4, vm0, $0xb8;
	[tilespmem:$0x18100] =	vst v63  }
0x12d: {  	v3 =	vperm.xlane v3, v2  }
0x12e: {  	[tilespmem:s16], [sflag:$0x3] =	stream.indirect_vreg.gather [hbm4b:s5+s3], $0x80, v4, vm0, $0xb8;
	[tilespmem:$0x18100] =	vst v63  }
0x12f: {  	v3 =	vadd.s32 v1, v3  }
0x130: {  	[tilespmem:s17], [sflag:$0x3] =	stream.indirect_vreg.gather [hbm4b:s6+s3], $0x80, v4, vm0, $0xb8;
	[tilespmem:$0x18100] =	vst v63  }
0x131: {  	_ = 	snop  }
0x132: {  	[tilespmem:s18], [sflag:$0x3] =	stream.indirect_vreg.gather [hbm4b:s7+s3], $0x80, v4, vm0, $0xb8;
	[tilespmem:$0x18100] =	vst v63  }
0x133: {  	_ = 	snop  }
0x134: {  	[tilespmem:s22], [sflag:$0x3] =	stream.indirect_vreg.gather [hbm4b:s2+s3], $0x80, v3, vm0, $0xb8;
	[tilespmem:$0x18100] =	vst v63  }
0x135: {  	_ = 	snop  }
0x136: {  	[tilespmem:s30], [sflag:$0x3] =	stream.indirect_vreg.gather [hbm4b:s5+s3], $0x80, v3, vm0, $0xb8;
	[tilespmem:$0x18100] =	vst v63  }
0x137: {  	_ = 	snop  }
0x138: {  	[tilespmem:s31], [sflag:$0x3] =	stream.indirect_vreg.gather [hbm4b:s6+s3], $0x80, v3, vm0, $0xb8;
	[tilespmem:$0x18100] =	vst v63  }
0x139: {  	_ = 	snop  }
0x13a: {  	[tilespmem:s24], [sflag:$0x3] =	stream.indirect_vreg.gather [hbm4b:s7+s3], $0x80, v3, vm0, $0xb8;
	[tilespmem:$0x18100] =	vst v63  }
0x13b: {  	_ =	swait.ge [sflag:s20], $0x8000  }
0x13c: {  	[sflag:s20] =	ssyncset.done $0x0  }
0x13d: {  	s10 =	rddreg [dreg:$0x8];
	[sflag:s20] =	ssyncadd.s32 $0xFFFF8000  }
0x13e: {  	[hbm4b:s10+s3] =	stream.linear.scatter [tilespmem:s4], [sflag:$0x5], $0x8000, $0x38;
	[tilespmem:$0x18100] =	vst v63  }
0x13f: {  	_ =	swait.ge [sflag:s21], $0x8000  }
0x140: {  	[sflag:s21] =	ssyncset.done $0x0  }
0x141: {  	[sflag:s21] =	ssyncadd.s32 $0xFFFF8000  }
0x142: {  	v3 =	vld [tilespmem:$0xC0];
	_ =	sdelay $0x4  }
0x143: {  	v60 =	vshll.u32 v3, $0x3  }
0x144: {  	v3 =	vand.u32 $0x7, v3;
	v4 =	vand.u32 $0xFFFFFFC0, v60  }
0x145: {  	v3 =	vor.u32 v3, v4  }
0x146: {  	v4 =	vperm.xlane v3, v0;
	_ =	sdelay $0x1  }
0x147: {  	v4 =	vadd.s32 v1, v4;
	_ =	sdelay $0x4  }
0x148: {  	[tilespmem:s26], [sflag:$0x1] =	stream.indirect_vreg.gather [hbm4b:s2+s3], $0x80, v4, vm0, $0xb8;
	[tilespmem:$0x18100] =	vst v63  }
0x149: {  	s28 =	simm.s32 $0x900;
	v3 =	vperm.xlane v3, v2  }
0x14a: {  	[tilespmem:s28], [sflag:$0x1] =	stream.indirect_vreg.gather [hbm4b:s5+s3], $0x80, v4, vm0, $0xb8;
	[tilespmem:$0x18100] =	vst v63  }
0x14b: {  	s29 =	simm.s32 $0x1100;
	v3 =	vadd.s32 v1, v3  }
0x14c: {  	[tilespmem:s29], [sflag:$0x1] =	stream.indirect_vreg.gather [hbm4b:s6+s3], $0x80, v4, vm0, $0xb8;
	[tilespmem:$0x18100] =	vst v63  }
0x14d: {  	s25 =	simm.s32 $0x1900  }
0x14e: {  	[tilespmem:s25], [sflag:$0x1] =	stream.indirect_vreg.gather [hbm4b:s7+s3], $0x80, v4, vm0, $0xb8;
	[tilespmem:$0x18100] =	vst v63  }
0x14f: {  	s28 =	simm.s32 $0x2100  }
0x150: {  	[tilespmem:s28], [sflag:$0x1] =	stream.indirect_vreg.gather [hbm4b:s2+s3], $0x80, v3, vm0, $0xb8;
	[tilespmem:$0x18100] =	vst v63  }
0x151: {  	s29 =	simm.s32 $0x2900  }
0x152: {  	[tilespmem:s29], [sflag:$0x1] =	stream.indirect_vreg.gather [hbm4b:s5+s3], $0x80, v3, vm0, $0xb8;
	[tilespmem:$0x18100] =	vst v63  }
0x153: {  	s25 =	simm.s32 $0x3100  }
0x154: {  	[tilespmem:s25], [sflag:$0x1] =	stream.indirect_vreg.gather [hbm4b:s6+s3], $0x80, v3, vm0, $0xb8;
	[tilespmem:$0x18100] =	vst v63  }
0x155: {  	s28 =	simm.s32 $0x3900  }
0x156: {  	[tilespmem:s28], [sflag:$0x1] =	stream.indirect_vreg.gather [hbm4b:s7+s3], $0x80, v3, vm0, $0xb8;
	[tilespmem:$0x18100] =	vst v63  }
0x157: {  	v3 =	vld [tilespmem:$0xD0];
	_ =	sdelay $0x4  }
0x158: {  	v61 =	vshll.u32 v3, $0x3  }
0x159: {  	v3 =	vand.u32 $0x7, v3;
	v4 =	vand.u32 $0xFFFFFFC0, v61  }
0x15a: {  	v3 =	vor.u32 v3, v4  }
0x15b: {  	v4 =	vperm.xlane v3, v0;
	_ =	sdelay $0x1  }
0x15c: {  	v4 =	vadd.s32 v1, v4;
	_ =	sdelay $0x3  }
0x15d: {  	s29 =	simm.s32 $0x4100  }
0x15e: {  	[tilespmem:s29], [sflag:$0x1] =	stream.indirect_vreg.gather [hbm4b:s2+s3], $0x80, v4, vm0, $0xb8;
	[tilespmem:$0x18100] =	vst v63  }
0x15f: {  	s25 =	simm.s32 $0x4900;
	v3 =	vperm.xlane v3, v2  }
0x160: {  	[tilespmem:s25], [sflag:$0x1] =	stream.indirect_vreg.gather [hbm4b:s5+s3], $0x80, v4, vm0, $0xb8;
	[tilespmem:$0x18100] =	vst v63  }
0x161: {  	s28 =	simm.s32 $0x5100;
	v3 =	vadd.s32 v1, v3  }
0x162: {  	[tilespmem:s28], [sflag:$0x1] =	stream.indirect_vreg.gather [hbm4b:s6+s3], $0x80, v4, vm0, $0xb8;
	[tilespmem:$0x18100] =	vst v63  }
0x163: {  	s29 =	simm.s32 $0x5900  }
0x164: {  	[tilespmem:s29], [sflag:$0x1] =	stream.indirect_vreg.gather [hbm4b:s7+s3], $0x80, v4, vm0, $0xb8;
	[tilespmem:$0x18100] =	vst v63  }
0x165: {  	s25 =	simm.s32 $0x6100  }
0x166: {  	[tilespmem:s25], [sflag:$0x1] =	stream.indirect_vreg.gather [hbm4b:s2+s3], $0x80, v3, vm0, $0xb8;
	[tilespmem:$0x18100] =	vst v63  }
0x167: {  	s28 =	simm.s32 $0x6900  }
0x168: {  	[tilespmem:s28], [sflag:$0x1] =	stream.indirect_vreg.gather [hbm4b:s5+s3], $0x80, v3, vm0, $0xb8;
	[tilespmem:$0x18100] =	vst v63  }
0x169: {  	s29 =	simm.s32 $0x7100  }
0x16a: {  	[tilespmem:s29], [sflag:$0x1] =	stream.indirect_vreg.gather [hbm4b:s6+s3], $0x80, v3, vm0, $0xb8;
	[tilespmem:$0x18100] =	vst v63  }
0x16b: {  	s25 =	simm.s32 $0x7900  }
0x16c: {  	[tilespmem:s25], [sflag:$0x1] =	stream.indirect_vreg.gather [hbm4b:s7+s3], $0x80, v3, vm0, $0xb8;
	[tilespmem:$0x18100] =	vst v63  }
0x16d: {  	_ =	swait.ge [sflag:s0], $0x8000  }
0x16e: {  	[sflag:s0] =	ssyncset.done $0x0  }
0x16f: {  	s28 =	rddreg [dreg:$0x9];
	[sflag:s0] =	ssyncadd.s32 $0xFFFF8000  }
0x170: {  	[hbm4b:s28+s3] =	stream.linear.scatter [tilespmem:s9], [sflag:$0x6], $0x8000, $0x38;
	[tilespmem:$0x18100] =	vst v63  }
0x171: {  	_ =	swait.ge [sflag:s23], $0x8000  }
0x172: {  	[sflag:s23] =	ssyncset.done $0x0  }
0x173: {  	[sflag:s23] =	ssyncadd.s32 $0xFFFF8000  }
0x174: {  	v3 =	vld [tilespmem:$0xE0];
	_ =	sdelay $0x4  }
0x175: {  	v62 =	vshll.u32 v3, $0x3  }
0x176: {  	v3 =	vand.u32 $0x7, v3;
	v4 =	vand.u32 $0xFFFFFFC0, v62  }
0x177: {  	v3 =	vor.u32 v3, v4  }
0x178: {  	v4 =	vperm.xlane v3, v0;
	_ =	sdelay $0x1  }
0x179: {  	v4 =	vadd.s32 v1, v4;
	_ =	sdelay $0x4  }
0x17a: {  	[tilespmem:s4], [sflag:$0x2] =	stream.indirect_vreg.gather [hbm4b:s2+s3], $0x80, v4, vm0, $0xb8;
	[tilespmem:$0x18100] =	vst v63  }
0x17b: {  	s29 =	simm.s32 $0x8900;
	v3 =	vperm.xlane v3, v2  }
0x17c: {  	[tilespmem:s29], [sflag:$0x2] =	stream.indirect_vreg.gather [hbm4b:s5+s3], $0x80, v4, vm0, $0xb8;
	[tilespmem:$0x18100] =	vst v63  }
0x17d: {  	s10 =	simm.s32 $0x9100;
	v3 =	vadd.s32 v1, v3  }
0x17e: {  	[tilespmem:s10], [sflag:$0x2] =	stream.indirect_vreg.gather [hbm4b:s6+s3], $0x80, v4, vm0, $0xb8;
	[tilespmem:$0x18100] =	vst v63  }
0x17f: {  	s25 =	simm.s32 $0x9900  }
0x180: {  	[tilespmem:s25], [sflag:$0x2] =	stream.indirect_vreg.gather [hbm4b:s7+s3], $0x80, v4, vm0, $0xb8;
	[tilespmem:$0x18100] =	vst v63  }
0x181: {  	s28 =	simm.s32 $0xA100  }
0x182: {  	[tilespmem:s28], [sflag:$0x2] =	stream.indirect_vreg.gather [hbm4b:s2+s3], $0x80, v3, vm0, $0xb8;
	[tilespmem:$0x18100] =	vst v63  }
0x183: {  	s29 =	simm.s32 $0xA900  }
0x184: {  	[tilespmem:s29], [sflag:$0x2] =	stream.indirect_vreg.gather [hbm4b:s5+s3], $0x80, v3, vm0, $0xb8;
	[tilespmem:$0x18100] =	vst v63  }
0x185: {  	s10 =	simm.s32 $0xB100  }
0x186: {  	[tilespmem:s10], [sflag:$0x2] =	stream.indirect_vreg.gather [hbm4b:s6+s3], $0x80, v3, vm0, $0xb8;
	[tilespmem:$0x18100] =	vst v63  }
0x187: {  	s25 =	simm.s32 $0xB900  }
0x188: {  	[tilespmem:s25], [sflag:$0x2] =	stream.indirect_vreg.gather [hbm4b:s7+s3], $0x80, v3, vm0, $0xb8;
	[tilespmem:$0x18100] =	vst v63  }
0x189: {  	v3 =	vld [tilespmem:$0xF0];
	_ =	sdelay $0x4  }
0x18a: {  	v63 =	vshll.u32 v3, $0x3  }
0x18b: {  	v3 =	vand.u32 $0x7, v3;
	v4 =	vand.u32 $0xFFFFFFC0, v63  }
0x18c: {  	v3 =	vor.u32 v3, v4  }
0x18d: {  	v4 =	vperm.xlane v3, v0;
	_ =	sdelay $0x1  }
0x18e: {  	v4 =	vadd.s32 v1, v4;
	_ =	sdelay $0x3  }
0x18f: {  	s28 =	simm.s32 $0xC100  }
0x190: {  	[tilespmem:s28], [sflag:$0x2] =	stream.indirect_vreg.gather [hbm4b:s2+s3], $0x80, v4, vm0, $0xb8;
	[tilespmem:$0x18100] =	vst v63  }
0x191: {  	s29 =	simm.s32 $0xC900;
	v3 =	vperm.xlane v3, v2  }
0x192: {  	[tilespmem:s29], [sflag:$0x2] =	stream.indirect_vreg.gather [hbm4b:s5+s3], $0x80, v4, vm0, $0xb8;
	[tilespmem:$0x18100] =	vst v63  }
0x193: {  	s10 =	simm.s32 $0xD100;
	v3 =	vadd.s32 v1, v3  }
0x194: {  	[tilespmem:s10], [sflag:$0x2] =	stream.indirect_vreg.gather [hbm4b:s6+s3], $0x80, v4, vm0, $0xb8;
	[tilespmem:$0x18100] =	vst v63  }
0x195: {  	s25 =	simm.s32 $0xD900  }
0x196: {  	[tilespmem:s25], [sflag:$0x2] =	stream.indirect_vreg.gather [hbm4b:s7+s3], $0x80, v4, vm0, $0xb8;
	[tilespmem:$0x18100] =	vst v63  }
0x197: {  	s28 =	simm.s32 $0xE100  }
0x198: {  	[tilespmem:s28], [sflag:$0x2] =	stream.indirect_vreg.gather [hbm4b:s2+s3], $0x80, v3, vm0, $0xb8;
	[tilespmem:$0x18100] =	vst v63  }
0x199: {  	s29 =	simm.s32 $0xE900  }
0x19a: {  	[tilespmem:s29], [sflag:$0x2] =	stream.indirect_vreg.gather [hbm4b:s5+s3], $0x80, v3, vm0, $0xb8;
	[tilespmem:$0x18100] =	vst v63  }
0x19b: {  	s10 =	simm.s32 $0xF100  }
0x19c: {  	[tilespmem:s10], [sflag:$0x2] =	stream.indirect_vreg.gather [hbm4b:s6+s3], $0x80, v3, vm0, $0xb8;
	[tilespmem:$0x18100] =	vst v63  }
0x19d: {  	s25 =	simm.s32 $0xF900  }
0x19e: {  	[tilespmem:s25], [sflag:$0x2] =	stream.indirect_vreg.gather [hbm4b:s7+s3], $0x80, v3, vm0, $0xb8;
	[tilespmem:$0x18100] =	vst v63  }
0x19f: {  	_ =	swait.ge [sflag:s19], $0x8000  }
0x1a0: {  	[sflag:s19] =	ssyncset.done $0x0  }
0x1a1: {  	s28 =	rddreg [dreg:$0xa];
	[sflag:s19] =	ssyncadd.s32 $0xFFFF8000  }
0x1a2: {  	[hbm4b:s28+s3] =	stream.linear.scatter [tilespmem:s26], [sflag:$0x4], $0x8000, $0x38;
	[tilespmem:$0x18100] =	vst v63  }
0x1a3: {  	_ =	swait.ge [sflag:s20], $0x8000  }
0x1a4: {  	[sflag:s20] =	ssyncset.done $0x0  }
0x1a5: {  	s29 =	rddreg [dreg:$0xb];
	[sflag:s20] =	ssyncadd.s32 $0xFFFF8000  }
0x1a6: {  	[hbm4b:s29+s3] =	stream.linear.scatter [tilespmem:s4], [sflag:$0x5], $0x8000, $0x38;
	[tilespmem:$0x18100] =	vst v63  }
0x1a7: {  	_ =	swait.ge [sflag:s1], $0x8000  }
0x1a8: {  	[sflag:s1] =	ssyncset.done $0x0  }
0x1a9: {  	[sflag:s1] =	ssyncadd.s32 $0xFFFF8000  }
0x1aa: {  	p0 =	sne.s32 s8, $0x1;
	_ =	swait.ge [sflag:s21], $0x8000  }
.Ltmp0:
0x1ab: {  	[sflag:s21] =	ssyncset.done $0x0;
	(pc) =	sbr.rel @p0 .LBB2_1-.Ltmp0, $4  }
0x1ac: {  	[sflag:s21] =	ssyncadd.s32 $0xFFFF8000  }
0x1ad: {  	_ =	swait.ge [sflag:s23], $0x8000  }
0x1ae: {  	[sflag:s23] =	ssyncset.done $0x0  }
0x1af: {  	s8 =	sadd.s32 $0xFFFFFFFF, s8;
	[sflag:s23] =	ssyncadd.s32 $0xFFFF8000  }
0x1b0: {  	_ =	sfence.sel $0x180000  }
0x1b1: {  	[bflag:$0x0] =	sbarrier.arrive $0xFFFF  }
0x1b2: {  	_ =	strace $0x90000047  }
0x1b3: {  	s0 =	stileid.u32;
	[bflag:$0x2] =	sbarrier.arrive $0xFFFF  }
0x1b4: {  	p0 =	sne.s32 s0, $0x0;
	s0 =	rddreg [dreg:$0x3]  }
0x1b5: {  	s0 =	sadd.s32 @!p0 $0x100000, s0  }
0x1b6: {  	[sflag:s0] =	ssyncadd.tile.s32 @!p0 $0x1;
	_ =	shalt  }
.Lfunc_end2:
_tile_overlayer_lowered:
.L_overlay_start_2:
0x1b7: {  	(tag) =	ssettag $0x2  }
0x1b8: {  	s0 =	rddreg [dreg:$0x0];
	s2 =	stileid.u32  }
0x1b9: {  	s1 =	rddreg [dreg:$0x1];
	p0 =	sne.s32 s2, $0x0  }
0x1ba: {  	s3 =	rddreg [dreg:$0x2];
	[bflag:$0x3] =	sbarrier.arrive $0xFFFF;
	s2 =	simm.s32 @!p0 $0x1C07  }
0x1bb: {  	[timem:s3], [sflag:s2] =	dma.local @!p0 [hbm:s0], s1  }
0x1bc: {  	s0 =	simm.s32 @!p0 $0x7  }
0x1bd: {  	_ =	swait.ge @!p0 [sflag:s0], s1  }
0x1be: {  	s1 =	ssub.s32 @!p0 $0x0, s1;
	[sflag:s0] =	ssyncset.done @!p0 $0x0  }
0x1bf: {  	[sflag:s0] =	ssyncadd.s32 @!p0 s1  }
0x1c0: {  	[bflag:$0x3] =	sbarrier.arrive $0xFFFF  }
0x1c1: {  	_ =	shalt  }

</sc_bundles>
